<compile_context>
chip_gen: v7x
topology: tpu7x:2x2x1
jax: 0.10.2.dev20260603
libtpu: 0.0.44.dev20260713+nightly
codegen_flags: <defaults>
</compile_context>

<pallas_src>
import jax
import jax.numpy as jnp
from jax import lax
from jax.experimental import pallas as pl
from jax.experimental.pallas import tpu as pltpu

B, C, H, W = 2, 96, 384, 384
NPIX = H * W
FAC = 6
HC = H // FAC
NCOARSE = HC * HC
SPLITM = 32
NBLK = SPLITM * SPLITM
SFINE = 12
NQ = SFINE * SFINE
TILE = FAC * FAC
G = 8
INV_SC2 = 1.0 / (96.0 ** 0.5)
PREC = lax.Precision.HIGHEST


def _dot(a, b):
    return jnp.dot(a, b, preferred_element_type=jnp.float32, precision=PREC)


def _dot_t(a, b):
    return lax.dot_general(a, b, (((1,), (1,)), ((), ())),
                           preferred_element_type=jnp.float32, precision=PREC)


def _bdot_t(a, b):
    return lax.dot_general(a, b, (((2,), (2,)), ((0,), (0,))),
                           preferred_element_type=jnp.float32, precision=PREC)


def _bdot(a, b):
    return lax.dot_general(a, b, (((2,), (1,)), ((0,), (0,))),
                           preferred_element_type=jnp.float32, precision=PREC)


def _mm_body(a_ref, b_ref, o_ref):
    o_ref[...] = _dot(a_ref[...], b_ref[...])


def _mm(a, bmat, rb):
    m, k = a.shape
    _, n = bmat.shape
    return pl.pallas_call(
        _mm_body,
        grid=(m // rb,),
        in_specs=[pl.BlockSpec((rb, k), lambda i: (i, 0)),
                  pl.BlockSpec((k, n), lambda i: (0, 0))],
        out_specs=pl.BlockSpec((rb, n), lambda i: (i, 0)),
        out_shape=jax.ShapeDtypeStruct((m, n), jnp.float32),
    )(a, bmat)


def _cproj_body(pq_ref, wqt_ref, bq_ref, pk_ref, wkt_ref, bk_ref,
                qd_ref, kd_ref):
    qd_ref[0] = _dot(pq_ref[0], wqt_ref[...]) + bq_ref[...]
    kd_ref[0] = _dot(pk_ref[0], wkt_ref[...]) + bk_ref[...]


def _topk_body(qd_ref, kd_ref, pair_ref, o_ref):
    q = qd_ref[0]
    k = kd_ref[0]
    e = (2.0 * _dot_t(q, k) - jnp.sum(k * k, axis=-1)[None, :]) * INV_SC2
    m = jnp.max(e, axis=-1, keepdims=True)
    p = jnp.exp(e - m)
    a = p / jnp.sum(p, axis=-1, keepdims=True)
    srow = a[0:HC, :] + a[HC:2 * HC, :]
    s = _dot(pair_ref[...], srow)
    idx = lax.broadcasted_iota(jnp.int32, s.shape, 1)
    m1 = jnp.max(s, axis=-1, keepdims=True)
    i1 = jnp.min(jnp.where(s == m1, idx, NCOARSE), axis=-1, keepdims=True)
    s2 = jnp.where(idx == i1, -jnp.inf, s)
    m2 = jnp.max(s2, axis=-1, keepdims=True)
    i2 = jnp.min(jnp.where(s2 == m2, idx, NCOARSE), axis=-1, keepdims=True)
    o_ref[0] = jnp.concatenate([i1, i2], axis=-1)


def _phase2_body(tk_ref, xq_ref, *rest):
    del tk_ref
    tiles = rest[:2 * G]
    (wqt_ref, bq_ref, wkvt_ref, bkv_ref,
     wp1t_ref, wp2t_ref, bp_ref, o_ref) = rest[2 * G:]
    xq = xq_ref[0]
    q = _dot(xq, wqt_ref[...]) + bq_ref[...]
    t_all = jnp.concatenate([t[0, 0] for t in tiles], axis=0)
    kv = _dot(t_all, wkvt_ref[...]) + bkv_ref[...]
    k, v = kv[:, 0:C], kv[:, C:2 * C]
    qb = q.reshape(G, NQ, C)
    kb = k.reshape(G, 2 * TILE, C)
    vb = v.reshape(G, 2 * TILE, C)
    e = (2.0 * _bdot_t(qb, kb)
         - jnp.sum(kb * kb, axis=-1)[:, None, :]) * INV_SC2
    m = jnp.max(e, axis=-1, keepdims=True)
    p = jnp.exp(e - m)
    a = p / jnp.sum(p, axis=-1, keepdims=True)
    att = _bdot(a, vb).reshape(G * NQ, C)
    o_ref[0] = (_dot(xq, wp1t_ref[...]) + _dot(att, wp2t_ref[...])
                + bp_ref[...])


def _pool_img(x, pt):
    a = x.reshape(B * C * H, W)
    c1 = _mm(a, pt, 1024)
    c1 = c1.reshape(B, C, H, HC).transpose(0, 1, 3, 2).reshape(B * C * HC, H)
    c2 = _mm(c1, pt, 1024)
    return c2.reshape(B, C, HC, HC).transpose(0, 3, 2, 1).reshape(B, NCOARSE, C)


def kernel(xKeyValue, xQuery, W_val, b_val, W_key, b_key, W_q, b_q,
           W_proj, b_proj):
    f32 = jnp.float32
    pt = (jnp.arange(W)[:, None] // FAC == jnp.arange(HC)[None, :]).astype(f32) / FAC
    pair = (jnp.arange(SPLITM)[:, None] == jnp.arange(HC)[None, :] // 2).astype(f32)

    xkv_r = (xKeyValue.reshape(B, C, HC, FAC, HC, FAC)
             .transpose(0, 2, 4, 3, 5, 1).reshape(B, NCOARSE, TILE, C))
    xq_r = (xQuery.reshape(B, C, SPLITM, SFINE, SPLITM, SFINE)
            .transpose(0, 2, 4, 3, 5, 1).reshape(B, NPIX, C))

    pq_t = _pool_img(xQuery, pt)
    pkv_t = _pool_img(xKeyValue, pt)

    qd, kd = pl.pallas_call(
        _cproj_body,
        grid=(B,),
        in_specs=[pl.BlockSpec((1, NCOARSE, C), lambda b: (b, 0, 0)),
                  pl.BlockSpec((C, C), lambda b: (0, 0)),
                  pl.BlockSpec((1, C), lambda b: (0, 0)),
                  pl.BlockSpec((1, NCOARSE, C), lambda b: (b, 0, 0)),
                  pl.BlockSpec((C, C), lambda b: (0, 0)),
                  pl.BlockSpec((1, C), lambda b: (0, 0))],
        out_specs=[pl.BlockSpec((1, NCOARSE, C), lambda b: (b, 0, 0)),
                   pl.BlockSpec((1, NCOARSE, C), lambda b: (b, 0, 0))],
        out_shape=[jax.ShapeDtypeStruct((B, NCOARSE, C), f32),
                   jax.ShapeDtypeStruct((B, NCOARSE, C), f32)],
    )(pq_t, W_q.T, b_q[None, :], pkv_t, W_key.T, b_key[None, :])

    tk = pl.pallas_call(
        _topk_body,
        grid=(B, SPLITM),
        in_specs=[pl.BlockSpec((1, 2 * HC, C), lambda b, i: (b, i, 0)),
                  pl.BlockSpec((1, NCOARSE, C), lambda b, i: (b, 0, 0)),
                  pl.BlockSpec((SPLITM, HC), lambda b, i: (0, 0))],
        out_specs=pl.BlockSpec((1, SPLITM, 2), lambda b, i: (b, i, 0)),
        out_shape=jax.ShapeDtypeStruct((B, NBLK, 2), jnp.int32),
    )(qd, kd, pair)

    def _tile_spec(i, kap):
        def imap(b, j, tkr, i=i, kap=kap):
            return (b, tkr[(b * NBLK + G * j + i) * 2 + kap], 0, 0)
        return pl.BlockSpec((1, 1, TILE, C), imap)

    tile_specs = []
    for i in range(G):
        tile_specs.append(_tile_spec(i, 0))
        tile_specs.append(_tile_spec(i, 1))

    grid_spec = pltpu.PrefetchScalarGridSpec(
        num_scalar_prefetch=1,
        grid=(B, NBLK // G),
        in_specs=[pl.BlockSpec((1, G * NQ, C), lambda b, j, tkr: (b, j, 0))]
                 + tile_specs
                 + [pl.BlockSpec((C, C), lambda b, j, tkr: (0, 0)),
                    pl.BlockSpec((1, C), lambda b, j, tkr: (0, 0)),
                    pl.BlockSpec((C, 2 * C), lambda b, j, tkr: (0, 0)),
                    pl.BlockSpec((1, 2 * C), lambda b, j, tkr: (0, 0)),
                    pl.BlockSpec((C, C), lambda b, j, tkr: (0, 0)),
                    pl.BlockSpec((C, C), lambda b, j, tkr: (0, 0)),
                    pl.BlockSpec((1, C), lambda b, j, tkr: (0, 0))],
        out_specs=pl.BlockSpec((1, G * NQ, C), lambda b, j, tkr: (b, j, 0)),
    )
    out_r = pl.pallas_call(
        _phase2_body,
        grid_spec=grid_spec,
        out_shape=jax.ShapeDtypeStruct((B, NPIX, C), f32),
    )(tk.reshape(-1), xq_r, *([xkv_r] * (2 * G)),
      W_q.T, b_q[None, :],
      jnp.concatenate([W_key.T, W_val.T], axis=1),
      jnp.concatenate([b_key, b_val])[None, :],
      W_proj[:, 0:C].T, W_proj[:, C:2 * C].T, b_proj[None, :])

    out = (out_r.reshape(B, SPLITM, SPLITM, SFINE, SFINE, C)
           .transpose(0, 5, 1, 3, 2, 4).reshape(B, C, H, W))
    return out

# --- scband reference (transcript-rebuilt; emitter-appended) ---
"""Pipeline reference for scband-gpa-module-18176301597174 (READ-ONLY COPY).

The authoritative reference and input builder live on the scoring server;
editing this copy changes nothing except your own understanding.
"""

import jax, jax.numpy as jnp
import numpy as np

B, C_KV, C_Q, H, W = 2, 96, 96, 384, 384
N_CH, M_CH = 96, 96
SHIERARCHY, KAPPA, SPLITM = 64, 2, 32


def conv1x1(x, w, b):
    return jnp.einsum('bchw,oc->bohw', x, w) + b[None, :, None, None]


def avg_pool(x, d):
    b, c, h, w = x.shape
    return x.reshape(b, c, h // d, d, w // d, d).mean(axis=(3, 5))


def unfold_nn(x, s):
    # F.unfold with kernel_size=(s,s), stride=(s,s) (non-overlapping)
    b, c, h, w = x.shape
    x = x.reshape(b, c, h // s, s, w // s, s)
    x = jnp.transpose(x, (0, 1, 3, 5, 2, 4))
    return x.reshape(b, c * s * s, (h // s) * (w // s))


def fold_nn(x, c, h, w, s):
    # F.fold, non-overlapping inverse of unfold_nn
    b = x.shape[0]
    x = x.reshape(b, c, s, s, h // s, w // s)
    x = jnp.transpose(x, (0, 1, 4, 2, 5, 3))
    return x.reshape(b, c, h, w)


def batt(q, k, v, euclid=True, only_a=False):
    if euclid:
        sc = q.shape[2] ** 0.25
        qq, kk = q / sc, k / sc
        energy = jnp.einsum('bnd,bdm->bnm', 2.0 * qq, kk)
        energy = energy - jnp.sum(qq ** 2, axis=2)[:, :, None]
        energy = energy - jnp.sum(kk ** 2, axis=1)[:, None, :]
    else:
        energy = jnp.einsum('bnd,bdm->bnm', q / np.sqrt(q.shape[2]), k)
    attention = jax.nn.softmax(energy - jax.lax.stop_gradient(jnp.max(energy)), axis=-1)
    if only_a:
        return attention
    return jnp.einsum('bvm,bnm->bvn', v, attention)


def up4d(idx, S, h):
    xw = S * (idx // h)
    xh = S * (idx % h)
    buf = [(xw + dw) * S * h + xh + dh for dw in range(S) for dh in range(S)]
    return jnp.concatenate(buf, axis=-1)


def gpa_phase1(A, aspect=1, splitM=32, kappa=2):
    b, n, nk = A.shape
    h = int(np.sqrt(n // aspect))
    ah = int(aspect * h)
    s = min(h, ah) // splitM
    allk = jnp.transpose(A, (0, 2, 1)).reshape(b, nk, ah, h)
    allk = unfold_nn(allk, s)
    K = (ah // s) * (h // s)
    allk = allk.reshape(b, nk, s * s, K)
    scores = jnp.transpose(jnp.mean(allk, axis=2), (0, 2, 1))
    topk = jnp.argsort(-scores, axis=2)[:, :, :kappa]
    return topk, s, (ah, h)


def gpa_phase2(queries, keys, values, topk, s_c, size_hw, hsize, euclid=True):
    b, cq, hq, wq = queries.shape
    K = topk.shape[1]
    N = K * s_c * s_c
    nq = hq * wq
    S = int(np.sqrt(nq // N))
    s = s_c * S
    Q = unfold_nn(queries, s)
    Q = jnp.transpose(Q.reshape(b, cq, s * s, K), (0, 1, 3, 2))
    tk = up4d(topk, S, hsize)
    Q = jnp.transpose(Q, (0, 2, 1, 3)).reshape(b * K, cq, s * s)
    Nk = tk.shape[1] * tk.shape[2]
    idx = tk.reshape(b, 1, Nk)
    cn, cv = keys.shape[1], values.shape[1]
    KEY = jnp.take_along_axis(keys, jnp.broadcast_to(idx, (b, cn, Nk)), axis=2)
    V = jnp.take_along_axis(values, jnp.broadcast_to(idx, (b, cv, Nk)), axis=2)
    KEY = jnp.transpose(KEY.reshape(b, cn, K, Nk // K), (0, 2, 1, 3)).reshape(b * K, cn, Nk // K)
    V = jnp.transpose(V.reshape(b, cv, K, Nk // K), (0, 2, 1, 3)).reshape(b * K, cv, Nk // K)
    ba = batt(jnp.transpose(Q, (0, 2, 1)), KEY, V, euclid=euclid)
    att = jnp.transpose(ba.reshape(b, K, cv, -1), (0, 2, 3, 1)).reshape(b, -1, K)
    return fold_nn(att, cv, size_hw[0] * S, size_hw[1] * S, s)


def gpa_forward(xKeyValue, xQuery, W_val, b_val, W_key, b_key, W_q, b_q, W_proj, b_proj):
    VAL = conv1x1(xKeyValue, W_val, b_val)
    KEY = conv1x1(xKeyValue, W_key, b_key)
    Q = conv1x1(xQuery, W_q, b_q)
    b = Q.shape[0]
    fac = xQuery.shape[2] // SHIERARCHY
    psize = xKeyValue.shape[3] // fac
    Qd = jax.lax.stop_gradient(avg_pool(Q, fac))
    Kd = jax.lax.stop_gradient(avg_pool(KEY, fac))
    Qd = jnp.transpose(Qd.reshape(b, N_CH, -1), (0, 2, 1))
    Kd = Kd.reshape(b, N_CH, -1)
    A = batt(Qd, Kd, None, euclid=True, only_a=True)
    topk, s_c, size_hw = gpa_phase1(A, aspect=1, splitM=SPLITM, kappa=KAPPA)
    att = gpa_phase2(Q, KEY.reshape(b, N_CH, -1), VAL.reshape(b, M_CH, -1), topk, s_c, size_hw, psize, euclid=True)
    return conv1x1(jnp.concatenate([xQuery, att], axis=1), W_proj, b_proj)


def setup_inputs(seed: int = 0):
    key = jax.random.key(seed)
    ks = jax.random.split(key, 8)
    return {
        'xKeyValue': jax.random.normal(ks[0], (B, C_KV, H, W), dtype=jnp.float32),
        'xQuery': jax.random.normal(ks[1], (B, C_Q, H, W), dtype=jnp.float32),
        'W_val': jax.random.normal(ks[2], (M_CH, C_KV), dtype=jnp.float32) * 0.05,
        'b_val': jnp.zeros((M_CH,), dtype=jnp.float32),
        'W_key': jax.random.normal(ks[3], (N_CH, C_KV), dtype=jnp.float32) * 0.05,
        'b_key': jnp.zeros((N_CH,), dtype=jnp.float32),
        'W_q': jax.random.normal(ks[4], (N_CH, C_Q), dtype=jnp.float32) * 0.05,
        'b_q': jnp.zeros((N_CH,), dtype=jnp.float32),
        'W_proj': jax.random.normal(ks[5], (M_CH, C_Q + M_CH), dtype=jnp.float32) * 0.05,
        'b_proj': jnp.zeros((M_CH,), dtype=jnp.float32),
    }


def reference(xKeyValue, xQuery, W_val, b_val, W_key, b_key, W_q, b_q, W_proj, b_proj):
    return gpa_forward(xKeyValue, xQuery, W_val, b_val, W_key, b_key, W_q, b_q, W_proj, b_proj)

if __name__ == "__main__":
    import jax
    _d = setup_inputs()
    print(jax.jit(kernel)(*tuple(_d.values())))

</pallas_src>

<mosaic_0001>
module attributes {stable_mosaic.version = 14 : i64} {
  func.func @_mm_body(%arg0: i32, %arg1: memref<1024x384xf32, #tpu.memory_space<vmem>>, %arg2: memref<384x64xf32, #tpu.memory_space<vmem>>, %arg3: memref<1024x64xf32, #tpu.memory_space<vmem>>) attributes {dimension_semantics = [#tpu.dimension_semantics<arbitrary>], iteration_bounds = array<i64: 72>, scalar_prefetch = 0 : i64, scratch_operands = 0 : i64, tpu.core_type = #tpu.core_type<tc>, window_params = [{transform_indices = @transform_0, window_bounds = array<i64: 1024, 384>}, {pipeline_mode = #tpu.pipeline_mode<synchronous>, transform_indices = @transform_1, window_bounds = array<i64: 384, 64>}, {transform_indices = @transform_2, window_bounds = array<i64: 1024, 64>}]} {
    %get3A = arith.constant 0 : index
    %get3A_0 = arith.constant 0 : index
    %get3A_1 = vector.load %arg1[%get3A, %get3A_0] : memref<1024x384xf32, #tpu.memory_space<vmem>>, vector<1024x384xf32>
    %get3A_2 = arith.constant 0 : index
    %get3A_3 = arith.constant 0 : index
    %get3A_4 = vector.load %arg2[%get3A_2, %get3A_3] : memref<384x64xf32, #tpu.memory_space<vmem>>, vector<384x64xf32>
    %dot_general3A = arith.constant dense<0.000000e+00> : vector<1024x64xf32>
    %dot_general3A_5 = tpu.matmul %get3A_1, %get3A_4, %dot_general3A {dimension_numbers = #tpu.dot_dimension_numbers<[1], [0], [0], [1], [0, 0, 1, 1], [], []>, precision = #tpu.contract_precision<fp32>, transpose_lhs_hint = false} : vector<1024x384xf32>, vector<384x64xf32>, vector<1024x64xf32> -> vector<1024x64xf32>
    %swap3A = arith.constant 0 : index
    %swap3A_6 = arith.constant 0 : index
    %swap3A_7 = vector.load %arg3[%swap3A, %swap3A_6] : memref<1024x64xf32, #tpu.memory_space<vmem>>, vector<1024x64xf32>
    tpu.vector_store %arg3[%swap3A, %swap3A_6], %dot_general3A_5 {strides = array<i32>} : memref<1024x64xf32, #tpu.memory_space<vmem>>, vector<1024x64xf32>,
    return
  }
  func.func @transform_0(%arg0: i32) -> (i32, i32) {
    %c0_i32 = arith.constant 0 : i32
    %c0_i32_0 = arith.constant 0 : i32
    return %arg0, %c0_i32 : i32, i32
  }
  func.func @transform_1(%arg0: i32) -> (i32, i32) {
    %c0_i32 = arith.constant 0 : i32
    %c0_i32_0 = arith.constant 0 : i32
    %c0_i32_1 = arith.constant 0 : i32
    return %c0_i32, %c0_i32_0 : i32, i32
  }
  func.func @transform_2(%arg0: i32) -> (i32, i32) {
    %c0_i32 = arith.constant 0 : i32
    %c0_i32_0 = arith.constant 0 : i32
    return %arg0, %c0_i32 : i32, i32
  }
}

module attributes {stable_mosaic.version = 14 : i64} {
  func.func @_mm_body(%arg0: i32, %arg1: memref<1024x384xf32, #tpu.memory_space<vmem>>, %arg2: memref<384x64xf32, #tpu.memory_space<vmem>>, %arg3: memref<1024x64xf32, #tpu.memory_space<vmem>>) attributes {dimension_semantics = [#tpu.dimension_semantics<arbitrary>], iteration_bounds = array<i64: 12>, scalar_prefetch = 0 : i64, scratch_operands = 0 : i64, tpu.core_type = #tpu.core_type<tc>, window_params = [{transform_indices = @transform_0, window_bounds = array<i64: 1024, 384>}, {pipeline_mode = #tpu.pipeline_mode<synchronous>, transform_indices = @transform_1, window_bounds = array<i64: 384, 64>}, {transform_indices = @transform_2, window_bounds = array<i64: 1024, 64>}]} {
    %get3A = arith.constant 0 : index
    %get3A_0 = arith.constant 0 : index
    %get3A_1 = vector.load %arg1[%get3A, %get3A_0] : memref<1024x384xf32, #tpu.memory_space<vmem>>, vector<1024x384xf32>
    %get3A_2 = arith.constant 0 : index
    %get3A_3 = arith.constant 0 : index
    %get3A_4 = vector.load %arg2[%get3A_2, %get3A_3] : memref<384x64xf32, #tpu.memory_space<vmem>>, vector<384x64xf32>
    %dot_general3A = arith.constant dense<0.000000e+00> : vector<1024x64xf32>
    %dot_general3A_5 = tpu.matmul %get3A_1, %get3A_4, %dot_general3A {dimension_numbers = #tpu.dot_dimension_numbers<[1], [0], [0], [1], [0, 0, 1, 1], [], []>, precision = #tpu.contract_precision<fp32>, transpose_lhs_hint = false} : vector<1024x384xf32>, vector<384x64xf32>, vector<1024x64xf32> -> vector<1024x64xf32>
    %swap3A = arith.constant 0 : index
    %swap3A_6 = arith.constant 0 : index
    %swap3A_7 = vector.load %arg3[%swap3A, %swap3A_6] : memref<1024x64xf32, #tpu.memory_space<vmem>>, vector<1024x64xf32>
    tpu.vector_store %arg3[%swap3A, %swap3A_6], %dot_general3A_5 {strides = array<i32>} : memref<1024x64xf32, #tpu.memory_space<vmem>>, vector<1024x64xf32>,
    return
  }
  func.func @transform_0(%arg0: i32) -> (i32, i32) {
    %c0_i32 = arith.constant 0 : i32
    %c0_i32_0 = arith.constant 0 : i32
    return %arg0, %c0_i32 : i32, i32
  }
  func.func @transform_1(%arg0: i32) -> (i32, i32) {
    %c0_i32 = arith.constant 0 : i32
    %c0_i32_0 = arith.constant 0 : i32
    %c0_i32_1 = arith.constant 0 : i32
    return %c0_i32, %c0_i32_0 : i32, i32
  }
  func.func @transform_2(%arg0: i32) -> (i32, i32) {
    %c0_i32 = arith.constant 0 : i32
    %c0_i32_0 = arith.constant 0 : i32
    return %arg0, %c0_i32 : i32, i32
  }
}

module attributes {stable_mosaic.version = 14 : i64} {
  func.func @_cproj_body(%arg0: i32, %arg1: memref<1x4096x96xf32, #tpu.memory_space<vmem>>, %arg2: memref<96x96xf32, #tpu.memory_space<vmem>>, %arg3: memref<1x96xf32, #tpu.memory_space<vmem>>, %arg4: memref<1x4096x96xf32, #tpu.memory_space<vmem>>, %arg5: memref<96x96xf32, #tpu.memory_space<vmem>>, %arg6: memref<1x96xf32, #tpu.memory_space<vmem>>, %arg7: memref<1x4096x96xf32, #tpu.memory_space<vmem>>, %arg8: memref<1x4096x96xf32, #tpu.memory_space<vmem>>) attributes {dimension_semantics = [#tpu.dimension_semantics<arbitrary>], iteration_bounds = array<i64: 2>, scalar_prefetch = 0 : i64, scratch_operands = 0 : i64, tpu.core_type = #tpu.core_type<tc>, window_params = [{transform_indices = @transform_0, window_bounds = array<i64: 1, 4096, 96>}, {pipeline_mode = #tpu.pipeline_mode<synchronous>, transform_indices = @transform_1, window_bounds = array<i64: 96, 96>}, {pipeline_mode = #tpu.pipeline_mode<synchronous>, transform_indices = @transform_2, window_bounds = array<i64: 1, 96>}, {transform_indices = @transform_3, window_bounds = array<i64: 1, 4096, 96>}, {pipeline_mode = #tpu.pipeline_mode<synchronous>, transform_indices = @transform_4, window_bounds = array<i64: 96, 96>}, {pipeline_mode = #tpu.pipeline_mode<synchronous>, transform_indices = @transform_5, window_bounds = array<i64: 1, 96>}, {transform_indices = @transform_6, window_bounds = array<i64: 1, 4096, 96>}, {transform_indices = @transform_7, window_bounds = array<i64: 1, 4096, 96>}]} {
    %get3A = arith.constant 0 : index
    %get3A_0 = arith.constant 0 : index
    %get3A_1 = arith.constant 0 : index
    %get3A_2 = vector.load %arg1[%get3A, %get3A_0, %get3A_1] : memref<1x4096x96xf32, #tpu.memory_space<vmem>>, vector<1x4096x96xf32>
    %get3A_3 = vector.shape_cast %get3A_2 : vector<1x4096x96xf32> to vector<4096x96xf32>
    %get3A_4 = arith.constant 0 : index
    %get3A_5 = arith.constant 0 : index
    %get3A_6 = vector.load %arg2[%get3A_4, %get3A_5] : memref<96x96xf32, #tpu.memory_space<vmem>>, vector<96x96xf32>
    %dot_general3A = arith.constant dense<0.000000e+00> : vector<4096x96xf32>
    %dot_general3A_7 = tpu.matmul %get3A_3, %get3A_6, %dot_general3A {dimension_numbers = #tpu.dot_dimension_numbers<[1], [0], [0], [1], [0, 0, 1, 1], [], []>, precision = #tpu.contract_precision<fp32>, transpose_lhs_hint = false} : vector<4096x96xf32>, vector<96x96xf32>, vector<4096x96xf32> -> vector<4096x96xf32>
    %get3A_8 = arith.constant 0 : index
    %get3A_9 = arith.constant 0 : index
    %get3A_10 = vector.load %arg3[%get3A_8, %get3A_9] : memref<1x96xf32, #tpu.memory_space<vmem>>, vector<1x96xf32>
    %add3A = vector.broadcast %get3A_10 : vector<1x96xf32> to vector<4096x96xf32>
    %add3A_11 = arith.addf %dot_general3A_7, %add3A : vector<4096x96xf32>
    %swap3A = arith.constant 0 : index
    %swap3A_12 = arith.constant 0 : index
    %swap3A_13 = arith.constant 0 : index
    %swap3A_14 = vector.load %arg7[%swap3A, %swap3A_12, %swap3A_13] : memref<1x4096x96xf32, #tpu.memory_space<vmem>>, vector<1x4096x96xf32>
    %swap3A_15 = vector.shape_cast %swap3A_14 : vector<1x4096x96xf32> to vector<4096x96xf32>
    %swap3A_16 = vector.shape_cast %add3A_11 : vector<4096x96xf32> to vector<1x4096x96xf32>
    tpu.vector_store %arg7[%swap3A, %swap3A_12, %swap3A_13], %swap3A_16 {strides = array<i32>} : memref<1x4096x96xf32, #tpu.memory_space<vmem>>, vector<1x4096x96xf32>,
    %get3A_17 = arith.constant 0 : index
    %get3A_18 = arith.constant 0 : index
    %get3A_19 = arith.constant 0 : index
    %get3A_20 = vector.load %arg4[%get3A_17, %get3A_18, %get3A_19] : memref<1x4096x96xf32, #tpu.memory_space<vmem>>, vector<1x4096x96xf32>
    %get3A_21 = vector.shape_cast %get3A_20 : vector<1x4096x96xf32> to vector<4096x96xf32>
    %get3A_22 = arith.constant 0 : index
    %get3A_23 = arith.constant 0 : index
    %get3A_24 = vector.load %arg5[%get3A_22, %get3A_23] : memref<96x96xf32, #tpu.memory_space<vmem>>, vector<96x96xf32>
    %dot_general3A_25 = arith.constant dense<0.000000e+00> : vector<4096x96xf32>
    %dot_general3A_26 = tpu.matmul %get3A_21, %get3A_24, %dot_general3A_25 {dimension_numbers = #tpu.dot_dimension_numbers<[1], [0], [0], [1], [0, 0, 1, 1], [], []>, precision = #tpu.contract_precision<fp32>, transpose_lhs_hint = false} : vector<4096x96xf32>, vector<96x96xf32>, vector<4096x96xf32> -> vector<4096x96xf32>
    %get3A_27 = arith.constant 0 : index
    %get3A_28 = arith.constant 0 : index
    %get3A_29 = vector.load %arg6[%get3A_27, %get3A_28] : memref<1x96xf32, #tpu.memory_space<vmem>>, vector<1x96xf32>
    %add3A_30 = vector.broadcast %get3A_29 : vector<1x96xf32> to vector<4096x96xf32>
    %add3A_31 = arith.addf %dot_general3A_26, %add3A_30 : vector<4096x96xf32>
    %swap3A_32 = arith.constant 0 : index
    %swap3A_33 = arith.constant 0 : index
    %swap3A_34 = arith.constant 0 : index
    %swap3A_35 = vector.load %arg8[%swap3A_32, %swap3A_33, %swap3A_34] : memref<1x4096x96xf32, #tpu.memory_space<vmem>>, vector<1x4096x96xf32>
    %swap3A_36 = vector.shape_cast %swap3A_35 : vector<1x4096x96xf32> to vector<4096x96xf32>
    %swap3A_37 = vector.shape_cast %add3A_31 : vector<4096x96xf32> to vector<1x4096x96xf32>
    tpu.vector_store %arg8[%swap3A_32, %swap3A_33, %swap3A_34], %swap3A_37 {strides = array<i32>} : memref<1x4096x96xf32, #tpu.memory_space<vmem>>, vector<1x4096x96xf32>,
    return
  }
  func.func @transform_0(%arg0: i32) -> (i32, i32, i32) {
    %c0_i32 = arith.constant 0 : i32
    %c0_i32_0 = arith.constant 0 : i32
    %c0_i32_1 = arith.constant 0 : i32
    return %arg0, %c0_i32, %c0_i32_0 : i32, i32, i32
  }
  func.func @transform_1(%arg0: i32) -> (i32, i32) {
    %c0_i32 = arith.constant 0 : i32
    %c0_i32_0 = arith.constant 0 : i32
    %c0_i32_1 = arith.constant 0 : i32
    return %c0_i32, %c0_i32_0 : i32, i32
  }
  func.func @transform_2(%arg0: i32) -> (i32, i32) {
    %c0_i32 = arith.constant 0 : i32
    %c0_i32_0 = arith.constant 0 : i32
    %c0_i32_1 = arith.constant 0 : i32
    return %c0_i32, %c0_i32_0 : i32, i32
  }
  func.func @transform_3(%arg0: i32) -> (i32, i32, i32) {
    %c0_i32 = arith.constant 0 : i32
    %c0_i32_0 = arith.constant 0 : i32
    %c0_i32_1 = arith.constant 0 : i32
    return %arg0, %c0_i32, %c0_i32_0 : i32, i32, i32
  }
  func.func @transform_4(%arg0: i32) -> (i32, i32) {
    %c0_i32 = arith.constant 0 : i32
    %c0_i32_0 = arith.constant 0 : i32
    %c0_i32_1 = arith.constant 0 : i32
    return %c0_i32, %c0_i32_0 : i32, i32
  }
  func.func @transform_5(%arg0: i32) -> (i32, i32) {
    %c0_i32 = arith.constant 0 : i32
    %c0_i32_0 = arith.constant 0 : i32
    %c0_i32_1 = arith.constant 0 : i32
    return %c0_i32, %c0_i32_0 : i32, i32
  }
  func.func @transform_6(%arg0: i32) -> (i32, i32, i32) {
    %c0_i32 = arith.constant 0 : i32
    %c0_i32_0 = arith.constant 0 : i32
    %c0_i32_1 = arith.constant 0 : i32
    return %arg0, %c0_i32, %c0_i32_0 : i32, i32, i32
  }
  func.func @transform_7(%arg0: i32) -> (i32, i32, i32) {
    %c0_i32 = arith.constant 0 : i32
    %c0_i32_0 = arith.constant 0 : i32
    %c0_i32_1 = arith.constant 0 : i32
    return %arg0, %c0_i32, %c0_i32_0 : i32, i32, i32
  }
}

module attributes {stable_mosaic.version = 14 : i64} {
  func.func @_topk_body(%arg0: i32, %arg1: i32, %arg2: memref<1x128x96xf32, #tpu.memory_space<vmem>>, %arg3: memref<1x4096x96xf32, #tpu.memory_space<vmem>>, %arg4: memref<32x64xf32, #tpu.memory_space<vmem>>, %arg5: memref<1x32x2xi32, #tpu.memory_space<vmem>>) attributes {dimension_semantics = [#tpu.dimension_semantics<arbitrary>, #tpu.dimension_semantics<arbitrary>], iteration_bounds = array<i64: 2, 32>, scalar_prefetch = 0 : i64, scratch_operands = 0 : i64, tpu.core_type = #tpu.core_type<tc>, window_params = [{transform_indices = @transform_0, window_bounds = array<i64: 1, 128, 96>}, {transform_indices = @transform_1, window_bounds = array<i64: 1, 4096, 96>}, {pipeline_mode = #tpu.pipeline_mode<synchronous>, transform_indices = @transform_2, window_bounds = array<i64: 32, 64>}, {transform_indices = @transform_3, window_bounds = array<i64: 1, 32, 2>}]} {
    %get3A = arith.constant 0 : index
    %get3A_0 = arith.constant 0 : index
    %get3A_1 = arith.constant 0 : index
    %get3A_2 = vector.load %arg2[%get3A, %get3A_0, %get3A_1] : memref<1x128x96xf32, #tpu.memory_space<vmem>>, vector<1x128x96xf32>
    %get3A_3 = vector.shape_cast %get3A_2 : vector<1x128x96xf32> to vector<128x96xf32>
    %get3A_4 = arith.constant 0 : index
    %get3A_5 = arith.constant 0 : index
    %get3A_6 = arith.constant 0 : index
    %get3A_7 = vector.load %arg3[%get3A_4, %get3A_5, %get3A_6] : memref<1x4096x96xf32, #tpu.memory_space<vmem>>, vector<1x4096x96xf32>
    %get3A_8 = vector.shape_cast %get3A_7 : vector<1x4096x96xf32> to vector<4096x96xf32>
    %dot_general3A = arith.constant dense<0.000000e+00> : vector<128x4096xf32>
    %dot_general3A_9 = tpu.matmul %get3A_3, %get3A_8, %dot_general3A {dimension_numbers = #tpu.dot_dimension_numbers<[1], [1], [0], [0], [0, 0, 1, 0], [], []>, precision = #tpu.contract_precision<fp32>, transpose_lhs_hint = false} : vector<128x96xf32>, vector<4096x96xf32>, vector<128x4096xf32> -> vector<128x4096xf32>
    %mul3A = arith.constant 2.000000e+00 : f32
    %mul3A_10 = vector.broadcast %mul3A : f32 to vector<128x4096xf32>
    %mul3A_11 = arith.mulf %mul3A_10, %dot_general3A_9 : vector<128x4096xf32>
    %mul3A_12 = arith.mulf %get3A_8, %get3A_8 : vector<4096x96xf32>
    %reduce_sum3A = arith.constant dense<0.000000e+00> : vector<4096xf32>
    %reduce_sum3A_13 = vector.multi_reduction <add>, %mul3A_12, %reduce_sum3A [1] : vector<4096x96xf32> to vector<4096xf32>
    %broadcast_in_dim3A = vector.shape_cast %reduce_sum3A_13 : vector<4096xf32> to vector<1x4096xf32>
    %sub3A = vector.broadcast %broadcast_in_dim3A : vector<1x4096xf32> to vector<128x4096xf32>
    %sub3A_14 = arith.subf %mul3A_11, %sub3A : vector<128x4096xf32>
    %mul3A_15 = arith.constant 0.102062076 : f32
    %mul3A_16 = vector.broadcast %mul3A_15 : f32 to vector<128x4096xf32>
    %mul3A_17 = arith.mulf %sub3A_14, %mul3A_16 : vector<128x4096xf32>
    %reduce_max3A = arith.constant dense<0xFF800000> : vector<128xf32>
    %reduce_max3A_18 = vector.multi_reduction <maximumf>, %mul3A_17, %reduce_max3A [1] : vector<128x4096xf32> to vector<128xf32>
    %broadcast_in_dim3A_19 = vector.shape_cast %reduce_max3A_18 : vector<128xf32> to vector<128x1xf32>
    %sub3A_20 = vector.broadcast %broadcast_in_dim3A_19 : vector<128x1xf32> to vector<128x4096xf32>
    %sub3A_21 = arith.subf %mul3A_17, %sub3A_20 : vector<128x4096xf32>
    %exp3A = math.exp %sub3A_21 : vector<128x4096xf32>
    %reduce_sum3A_22 = arith.constant dense<0.000000e+00> : vector<128xf32>
    %reduce_sum3A_23 = vector.multi_reduction <add>, %exp3A, %reduce_sum3A_22 [1] : vector<128x4096xf32> to vector<128xf32>
    %broadcast_in_dim3A_24 = vector.shape_cast %reduce_sum3A_23 : vector<128xf32> to vector<128x1xf32>
    %div3A = vector.broadcast %broadcast_in_dim3A_24 : vector<128x1xf32> to vector<128x4096xf32>
    %div3A_25 = arith.divf %exp3A, %div3A : vector<128x4096xf32>
    %slice3A = vector.extract_strided_slice %div3A_25 {offsets = [0, 0], sizes = [64, 4096], strides = [1, 1]} : vector<128x4096xf32> to vector<64x4096xf32>
    %slice3A_26 = vector.extract_strided_slice %div3A_25 {offsets = [64, 0], sizes = [64, 4096], strides = [1, 1]} : vector<128x4096xf32> to vector<64x4096xf32>
    %add3A = arith.addf %slice3A, %slice3A_26 : vector<64x4096xf32>
    %get3A_27 = arith.constant 0 : index
    %get3A_28 = arith.constant 0 : index
    %get3A_29 = vector.load %arg4[%get3A_27, %get3A_28] : memref<32x64xf32, #tpu.memory_space<vmem>>, vector<32x64xf32>
    %dot_general3A_30 = arith.constant dense<0.000000e+00> : vector<32x4096xf32>
    %dot_general3A_31 = tpu.matmul %get3A_29, %add3A, %dot_general3A_30 {dimension_numbers = #tpu.dot_dimension_numbers<[1], [0], [0], [1], [0, 0, 1, 1], [], []>, precision = #tpu.contract_precision<fp32>, transpose_lhs_hint = false} : vector<32x64xf32>, vector<64x4096xf32>, vector<32x4096xf32> -> vector<32x4096xf32>
    %iota3A = tpu.iota {dimensions = array<i32: 1>} : vector<32x4096xi32>
    %reduce_max3A_32 = arith.constant dense<0xFF800000> : vector<32xf32>
    %reduce_max3A_33 = vector.multi_reduction <maximumf>, %dot_general3A_31, %reduce_max3A_32 [1] : vector<32x4096xf32> to vector<32xf32>
    %broadcast_in_dim3A_34 = vector.shape_cast %reduce_max3A_33 : vector<32xf32> to vector<32x1xf32>
    %eq3A = vector.broadcast %broadcast_in_dim3A_34 : vector<32x1xf32> to vector<32x4096xf32>
    %eq3A_35 = arith.cmpf oeq, %dot_general3A_31, %eq3A : vector<32x4096xf32>
    %jit3A = arith.constant 4096 : i32
    %broadcast_in_dim3A_36 = vector.broadcast %jit3A : i32 to vector<32x4096xi32>
    %select_n3A = arith.select %eq3A_35, %iota3A, %broadcast_in_dim3A_36 : vector<32x4096xi1>, vector<32x4096xi32>
    %reduce_min3A = arith.constant dense<2147483647> : vector<32xi32>
    %reduce_min3A_37 = vector.multi_reduction <minsi>, %select_n3A, %reduce_min3A [1] : vector<32x4096xi32> to vector<32xi32>
    %broadcast_in_dim3A_38 = vector.shape_cast %reduce_min3A_37 : vector<32xi32> to vector<32x1xi32>
    %eq3A_39 = vector.broadcast %broadcast_in_dim3A_38 : vector<32x1xi32> to vector<32x4096xi32>
    %eq3A_40 = arith.cmpi eq, %iota3A, %eq3A_39 : vector<32x4096xi32>
    %jit3A_41 = arith.constant 0xFF800000 : f32
    %broadcast_in_dim3A_42 = vector.broadcast %jit3A_41 : f32 to vector<32x4096xf32>
    %select_n3A_43 = arith.select %eq3A_40, %broadcast_in_dim3A_42, %dot_general3A_31 : vector<32x4096xi1>, vector<32x4096xf32>
    %reduce_max3A_44 = arith.constant dense<0xFF800000> : vector<32xf32>
    %reduce_max3A_45 = vector.multi_reduction <maximumf>, %select_n3A_43, %reduce_max3A_44 [1] : vector<32x4096xf32> to vector<32xf32>
    %broadcast_in_dim3A_46 = vector.shape_cast %reduce_max3A_45 : vector<32xf32> to vector<32x1xf32>
    %eq3A_47 = vector.broadcast %broadcast_in_dim3A_46 : vector<32x1xf32> to vector<32x4096xf32>
    %eq3A_48 = arith.cmpf oeq, %select_n3A_43, %eq3A_47 : vector<32x4096xf32>
    %jit3A_49 = arith.constant 4096 : i32
    %broadcast_in_dim3A_50 = vector.broadcast %jit3A_49 : i32 to vector<32x4096xi32>
    %select_n3A_51 = arith.select %eq3A_48, %iota3A, %broadcast_in_dim3A_50 : vector<32x4096xi1>, vector<32x4096xi32>
    %reduce_min3A_52 = arith.constant dense<2147483647> : vector<32xi32>
    %reduce_min3A_53 = vector.multi_reduction <minsi>, %select_n3A_51, %reduce_min3A_52 [1] : vector<32x4096xi32> to vector<32xi32>
    %broadcast_in_dim3A_54 = vector.shape_cast %reduce_min3A_53 : vector<32xi32> to vector<32x1xi32>
    %concatenate3A = tpu.concatenate %broadcast_in_dim3A_38, %broadcast_in_dim3A_54 in 1 : vector<32x1xi32>, vector<32x1xi32> -> vector<32x2xi32>
    %swap3A = arith.constant 0 : index
    %swap3A_55 = arith.constant 0 : index
    %swap3A_56 = arith.constant 0 : index
    %swap3A_57 = vector.load %arg5[%swap3A, %swap3A_55, %swap3A_56] : memref<1x32x2xi32, #tpu.memory_space<vmem>>, vector<1x32x2xi32>
    %swap3A_58 = vector.shape_cast %swap3A_57 : vector<1x32x2xi32> to vector<32x2xi32>
    %swap3A_59 = vector.shape_cast %concatenate3A : vector<32x2xi32> to vector<1x32x2xi32>
    tpu.vector_store %arg5[%swap3A, %swap3A_55, %swap3A_56], %swap3A_59 {strides = array<i32>} : memref<1x32x2xi32, #tpu.memory_space<vmem>>, vector<1x32x2xi32>,
    return
  }
  func.func @transform_0(%arg0: i32, %arg1: i32) -> (i32, i32, i32) {
    %c0_i32 = arith.constant 0 : i32
    %c0_i32_0 = arith.constant 0 : i32
    return %arg0, %arg1, %c0_i32 : i32, i32, i32
  }
  func.func @transform_1(%arg0: i32, %arg1: i32) -> (i32, i32, i32) {
    %c0_i32 = arith.constant 0 : i32
    %c0_i32_0 = arith.constant 0 : i32
    %c0_i32_1 = arith.constant 0 : i32
    return %arg0, %c0_i32, %c0_i32_0 : i32, i32, i32
  }
  func.func @transform_2(%arg0: i32, %arg1: i32) -> (i32, i32) {
    %c0_i32 = arith.constant 0 : i32
    %c0_i32_0 = arith.constant 0 : i32
    %c0_i32_1 = arith.constant 0 : i32
    return %c0_i32, %c0_i32_0 : i32, i32
  }
  func.func @transform_3(%arg0: i32, %arg1: i32) -> (i32, i32, i32) {
    %c0_i32 = arith.constant 0 : i32
    %c0_i32_0 = arith.constant 0 : i32
    return %arg0, %arg1, %c0_i32 : i32, i32, i32
  }
}

module attributes {stable_mosaic.version = 14 : i64} {
  func.func @_phase2_body(%arg0: i32, %arg1: i32, %arg2: memref<4096xi32, #tpu.memory_space<smem>>, %arg3: memref<1x1152x96xf32, #tpu.memory_space<vmem>>, %arg4: memref<1x1x36x96xf32, #tpu.memory_space<vmem>>, %arg5: memref<1x1x36x96xf32, #tpu.memory_space<vmem>>, %arg6: memref<1x1x36x96xf32, #tpu.memory_space<vmem>>, %arg7: memref<1x1x36x96xf32, #tpu.memory_space<vmem>>, %arg8: memref<1x1x36x96xf32, #tpu.memory_space<vmem>>, %arg9: memref<1x1x36x96xf32, #tpu.memory_space<vmem>>, %arg10: memref<1x1x36x96xf32, #tpu.memory_space<vmem>>, %arg11: memref<1x1x36x96xf32, #tpu.memory_space<vmem>>, %arg12: memref<1x1x36x96xf32, #tpu.memory_space<vmem>>, %arg13: memref<1x1x36x96xf32, #tpu.memory_space<vmem>>, %arg14: memref<1x1x36x96xf32, #tpu.memory_space<vmem>>, %arg15: memref<1x1x36x96xf32, #tpu.memory_space<vmem>>, %arg16: memref<1x1x36x96xf32, #tpu.memory_space<vmem>>, %arg17: memref<1x1x36x96xf32, #tpu.memory_space<vmem>>, %arg18: memref<1x1x36x96xf32, #tpu.memory_space<vmem>>, %arg19: memref<1x1x36x96xf32, #tpu.memory_space<vmem>>, %arg20: memref<96x96xf32, #tpu.memory_space<vmem>>, %arg21: memref<1x96xf32, #tpu.memory_space<vmem>>, %arg22: memref<96x192xf32, #tpu.memory_space<vmem>>, %arg23: memref<1x192xf32, #tpu.memory_space<vmem>>, %arg24: memref<96x96xf32, #tpu.memory_space<vmem>>, %arg25: memref<96x96xf32, #tpu.memory_space<vmem>>, %arg26: memref<1x96xf32, #tpu.memory_space<vmem>>, %arg27: memref<1x1152x96xf32, #tpu.memory_space<vmem>>) attributes {dimension_semantics = [#tpu.dimension_semantics<arbitrary>, #tpu.dimension_semantics<arbitrary>], iteration_bounds = array<i64: 2, 128>, scalar_prefetch = 1 : i64, scratch_operands = 0 : i64, tpu.core_type = #tpu.core_type<tc>, window_params = [{transform_indices = @transform_0, window_bounds = array<i64: 1, 1152, 96>}, {transform_indices = @transform_1, window_bounds = array<i64: 1, 1, 36, 96>}, {transform_indices = @transform_2, window_bounds = array<i64: 1, 1, 36, 96>}, {transform_indices = @transform_3, window_bounds = array<i64: 1, 1, 36, 96>}, {transform_indices = @transform_4, window_bounds = array<i64: 1, 1, 36, 96>}, {transform_indices = @transform_5, window_bounds = array<i64: 1, 1, 36, 96>}, {transform_indices = @transform_6, window_bounds = array<i64: 1, 1, 36, 96>}, {transform_indices = @transform_7, window_bounds = array<i64: 1, 1, 36, 96>}, {transform_indices = @transform_8, window_bounds = array<i64: 1, 1, 36, 96>}, {transform_indices = @transform_9, window_bounds = array<i64: 1, 1, 36, 96>}, {transform_indices = @transform_10, window_bounds = array<i64: 1, 1, 36, 96>}, {transform_indices = @transform_11, window_bounds = array<i64: 1, 1, 36, 96>}, {transform_indices = @transform_12, window_bounds = array<i64: 1, 1, 36, 96>}, {transform_indices = @transform_13, window_bounds = array<i64: 1, 1, 36, 96>}, {transform_indices = @transform_14, window_bounds = array<i64: 1, 1, 36, 96>}, {transform_indices = @transform_15, window_bounds = array<i64: 1, 1, 36, 96>}, {transform_indices = @transform_16, window_bounds = array<i64: 1, 1, 36, 96>}, {pipeline_mode = #tpu.pipeline_mode<synchronous>, transform_indices = @transform_17, window_bounds = array<i64: 96, 96>}, {pipeline_mode = #tpu.pipeline_mode<synchronous>, transform_indices = @transform_18, window_bounds = array<i64: 1, 96>}, {pipeline_mode = #tpu.pipeline_mode<synchronous>, transform_indices = @transform_19, window_bounds = array<i64: 96, 192>}, {pipeline_mode = #tpu.pipeline_mode<synchronous>, transform_indices = @transform_20, window_bounds = array<i64: 1, 192>}, {pipeline_mode = #tpu.pipeline_mode<synchronous>, transform_indices = @transform_21, window_bounds = array<i64: 96, 96>}, {pipeline_mode = #tpu.pipeline_mode<synchronous>, transform_indices = @transform_22, window_bounds = array<i64: 96, 96>}, {pipeline_mode = #tpu.pipeline_mode<synchronous>, transform_indices = @transform_23, window_bounds = array<i64: 1, 96>}, {transform_indices = @transform_24, window_bounds = array<i64: 1, 1152, 96>}]} {
    %get3A = arith.constant 0 : index
    %get3A_0 = arith.constant 0 : index
    %get3A_1 = arith.constant 0 : index
    %get3A_2 = vector.load %arg3[%get3A, %get3A_0, %get3A_1] : memref<1x1152x96xf32, #tpu.memory_space<vmem>>, vector<1x1152x96xf32>
    %get3A_3 = vector.shape_cast %get3A_2 : vector<1x1152x96xf32> to vector<1152x96xf32>
    %get3A_4 = arith.constant 0 : index
    %get3A_5 = arith.constant 0 : index
    %get3A_6 = vector.load %arg20[%get3A_4, %get3A_5] : memref<96x96xf32, #tpu.memory_space<vmem>>, vector<96x96xf32>
    %dot_general3A = arith.constant dense<0.000000e+00> : vector<1152x96xf32>
    %dot_general3A_7 = tpu.matmul %get3A_3, %get3A_6, %dot_general3A {dimension_numbers = #tpu.dot_dimension_numbers<[1], [0], [0], [1], [0, 0, 1, 1], [], []>, precision = #tpu.contract_precision<fp32>, transpose_lhs_hint = false} : vector<1152x96xf32>, vector<96x96xf32>, vector<1152x96xf32> -> vector<1152x96xf32>
    %get3A_8 = arith.constant 0 : index
    %get3A_9 = arith.constant 0 : index
    %get3A_10 = vector.load %arg21[%get3A_8, %get3A_9] : memref<1x96xf32, #tpu.memory_space<vmem>>, vector<1x96xf32>
    %add3A = vector.broadcast %get3A_10 : vector<1x96xf32> to vector<1152x96xf32>
    %add3A_11 = arith.addf %dot_general3A_7, %add3A : vector<1152x96xf32>
    %get3A_12 = arith.constant 0 : index
    %get3A_13 = arith.constant 0 : index
    %get3A_14 = arith.constant 0 : index
    %get3A_15 = arith.constant 0 : index
    %get3A_16 = vector.load %arg4[%get3A_12, %get3A_13, %get3A_14, %get3A_15] : memref<1x1x36x96xf32, #tpu.memory_space<vmem>>, vector<1x1x36x96xf32>
    %get3A_17 = vector.shape_cast %get3A_16 : vector<1x1x36x96xf32> to vector<36x96xf32>
    %get3A_18 = arith.constant 0 : index
    %get3A_19 = arith.constant 0 : index
    %get3A_20 = arith.constant 0 : index
    %get3A_21 = arith.constant 0 : index
    %get3A_22 = vector.load %arg5[%get3A_18, %get3A_19, %get3A_20, %get3A_21] : memref<1x1x36x96xf32, #tpu.memory_space<vmem>>, vector<1x1x36x96xf32>
    %get3A_23 = vector.shape_cast %get3A_22 : vector<1x1x36x96xf32> to vector<36x96xf32>
    %get3A_24 = arith.constant 0 : index
    %get3A_25 = arith.constant 0 : index
    %get3A_26 = arith.constant 0 : index
    %get3A_27 = arith.constant 0 : index
    %get3A_28 = vector.load %arg6[%get3A_24, %get3A_25, %get3A_26, %get3A_27] : memref<1x1x36x96xf32, #tpu.memory_space<vmem>>, vector<1x1x36x96xf32>
    %get3A_29 = vector.shape_cast %get3A_28 : vector<1x1x36x96xf32> to vector<36x96xf32>
    %get3A_30 = arith.constant 0 : index
    %get3A_31 = arith.constant 0 : index
    %get3A_32 = arith.constant 0 : index
    %get3A_33 = arith.constant 0 : index
    %get3A_34 = vector.load %arg7[%get3A_30, %get3A_31, %get3A_32, %get3A_33] : memref<1x1x36x96xf32, #tpu.memory_space<vmem>>, vector<1x1x36x96xf32>
    %get3A_35 = vector.shape_cast %get3A_34 : vector<1x1x36x96xf32> to vector<36x96xf32>
    %get3A_36 = arith.constant 0 : index
    %get3A_37 = arith.constant 0 : index
    %get3A_38 = arith.constant 0 : index
    %get3A_39 = arith.constant 0 : index
    %get3A_40 = vector.load %arg8[%get3A_36, %get3A_37, %get3A_38, %get3A_39] : memref<1x1x36x96xf32, #tpu.memory_space<vmem>>, vector<1x1x36x96xf32>
    %get3A_41 = vector.shape_cast %get3A_40 : vector<1x1x36x96xf32> to vector<36x96xf32>
    %get3A_42 = arith.constant 0 : index
    %get3A_43 = arith.constant 0 : index
    %get3A_44 = arith.constant 0 : index
    %get3A_45 = arith.constant 0 : index
    %get3A_46 = vector.load %arg9[%get3A_42, %get3A_43, %get3A_44, %get3A_45] : memref<1x1x36x96xf32, #tpu.memory_space<vmem>>, vector<1x1x36x96xf32>
    %get3A_47 = vector.shape_cast %get3A_46 : vector<1x1x36x96xf32> to vector<36x96xf32>
    %get3A_48 = arith.constant 0 : index
    %get3A_49 = arith.constant 0 : index
    %get3A_50 = arith.constant 0 : index
    %get3A_51 = arith.constant 0 : index
    %get3A_52 = vector.load %arg10[%get3A_48, %get3A_49, %get3A_50, %get3A_51] : memref<1x1x36x96xf32, #tpu.memory_space<vmem>>, vector<1x1x36x96xf32>
    %get3A_53 = vector.shape_cast %get3A_52 : vector<1x1x36x96xf32> to vector<36x96xf32>
    %get3A_54 = arith.constant 0 : index
    %get3A_55 = arith.constant 0 : index
    %get3A_56 = arith.constant 0 : index
    %get3A_57 = arith.constant 0 : index
    %get3A_58 = vector.load %arg11[%get3A_54, %get3A_55, %get3A_56, %get3A_57] : memref<1x1x36x96xf32, #tpu.memory_space<vmem>>, vector<1x1x36x96xf32>
    %get3A_59 = vector.shape_cast %get3A_58 : vector<1x1x36x96xf32> to vector<36x96xf32>
    %get3A_60 = arith.constant 0 : index
    %get3A_61 = arith.constant 0 : index
    %get3A_62 = arith.constant 0 : index
    %get3A_63 = arith.constant 0 : index
    %get3A_64 = vector.load %arg12[%get3A_60, %get3A_61, %get3A_62, %get3A_63] : memref<1x1x36x96xf32, #tpu.memory_space<vmem>>, vector<1x1x36x96xf32>
    %get3A_65 = vector.shape_cast %get3A_64 : vector<1x1x36x96xf32> to vector<36x96xf32>
    %get3A_66 = arith.constant 0 : index
    %get3A_67 = arith.constant 0 : index
    %get3A_68 = arith.constant 0 : index
    %get3A_69 = arith.constant 0 : index
    %get3A_70 = vector.load %arg13[%get3A_66, %get3A_67, %get3A_68, %get3A_69] : memref<1x1x36x96xf32, #tpu.memory_space<vmem>>, vector<1x1x36x96xf32>
    %get3A_71 = vector.shape_cast %get3A_70 : vector<1x1x36x96xf32> to vector<36x96xf32>
    %get3A_72 = arith.constant 0 : index
    %get3A_73 = arith.constant 0 : index
    %get3A_74 = arith.constant 0 : index
    %get3A_75 = arith.constant 0 : index
    %get3A_76 = vector.load %arg14[%get3A_72, %get3A_73, %get3A_74, %get3A_75] : memref<1x1x36x96xf32, #tpu.memory_space<vmem>>, vector<1x1x36x96xf32>
    %get3A_77 = vector.shape_cast %get3A_76 : vector<1x1x36x96xf32> to vector<36x96xf32>
    %get3A_78 = arith.constant 0 : index
    %get3A_79 = arith.constant 0 : index
    %get3A_80 = arith.constant 0 : index
    %get3A_81 = arith.constant 0 : index
    %get3A_82 = vector.load %arg15[%get3A_78, %get3A_79, %get3A_80, %get3A_81] : memref<1x1x36x96xf32, #tpu.memory_space<vmem>>, vector<1x1x36x96xf32>
    %get3A_83 = vector.shape_cast %get3A_82 : vector<1x1x36x96xf32> to vector<36x96xf32>
    %get3A_84 = arith.constant 0 : index
    %get3A_85 = arith.constant 0 : index
    %get3A_86 = arith.constant 0 : index
    %get3A_87 = arith.constant 0 : index
    %get3A_88 = vector.load %arg16[%get3A_84, %get3A_85, %get3A_86, %get3A_87] : memref<1x1x36x96xf32, #tpu.memory_space<vmem>>, vector<1x1x36x96xf32>
    %get3A_89 = vector.shape_cast %get3A_88 : vector<1x1x36x96xf32> to vector<36x96xf32>
    %get3A_90 = arith.constant 0 : index
    %get3A_91 = arith.constant 0 : index
    %get3A_92 = arith.constant 0 : index
    %get3A_93 = arith.constant 0 : index
    %get3A_94 = vector.load %arg17[%get3A_90, %get3A_91, %get3A_92, %get3A_93] : memref<1x1x36x96xf32, #tpu.memory_space<vmem>>, vector<1x1x36x96xf32>
    %get3A_95 = vector.shape_cast %get3A_94 : vector<1x1x36x96xf32> to vector<36x96xf32>
    %get3A_96 = arith.constant 0 : index
    %get3A_97 = arith.constant 0 : index
    %get3A_98 = arith.constant 0 : index
    %get3A_99 = arith.constant 0 : index
    %get3A_100 = vector.load %arg18[%get3A_96, %get3A_97, %get3A_98, %get3A_99] : memref<1x1x36x96xf32, #tpu.memory_space<vmem>>, vector<1x1x36x96xf32>
    %get3A_101 = vector.shape_cast %get3A_100 : vector<1x1x36x96xf32> to vector<36x96xf32>
    %get3A_102 = arith.constant 0 : index
    %get3A_103 = arith.constant 0 : index
    %get3A_104 = arith.constant 0 : index
    %get3A_105 = arith.constant 0 : index
    %get3A_106 = vector.load %arg19[%get3A_102, %get3A_103, %get3A_104, %get3A_105] : memref<1x1x36x96xf32, #tpu.memory_space<vmem>>, vector<1x1x36x96xf32>
    %get3A_107 = vector.shape_cast %get3A_106 : vector<1x1x36x96xf32> to vector<36x96xf32>
    %concatenate3A = tpu.concatenate %get3A_17, %get3A_23, %get3A_29, %get3A_35, %get3A_41, %get3A_47, %get3A_53, %get3A_59, %get3A_65, %get3A_71, %get3A_77, %get3A_83, %get3A_89, %get3A_95, %get3A_101, %get3A_107 in 0 : vector<36x96xf32>, vector<36x96xf32>, vector<36x96xf32>, vector<36x96xf32>, vector<36x96xf32>, vector<36x96xf32>, vector<36x96xf32>, vector<36x96xf32>, vector<36x96xf32>, vector<36x96xf32>, vector<36x96xf32>, vector<36x96xf32>, vector<36x96xf32>, vector<36x96xf32>, vector<36x96xf32>, vector<36x96xf32> -> vector<576x96xf32>
    %get3A_108 = arith.constant 0 : index
    %get3A_109 = arith.constant 0 : index
    %get3A_110 = vector.load %arg22[%get3A_108, %get3A_109] : memref<96x192xf32, #tpu.memory_space<vmem>>, vector<96x192xf32>
    %dot_general3A_111 = arith.constant dense<0.000000e+00> : vector<576x192xf32>
    %dot_general3A_112 = tpu.matmul %concatenate3A, %get3A_110, %dot_general3A_111 {dimension_numbers = #tpu.dot_dimension_numbers<[1], [0], [0], [1], [0, 0, 1, 1], [], []>, precision = #tpu.contract_precision<fp32>, transpose_lhs_hint = false} : vector<576x96xf32>, vector<96x192xf32>, vector<576x192xf32> -> vector<576x192xf32>
    %get3A_113 = arith.constant 0 : index
    %get3A_114 = arith.constant 0 : index
    %get3A_115 = vector.load %arg23[%get3A_113, %get3A_114] : memref<1x192xf32, #tpu.memory_space<vmem>>, vector<1x192xf32>
    %add3A_116 = vector.broadcast %get3A_115 : vector<1x192xf32> to vector<576x192xf32>
    %add3A_117 = arith.addf %dot_general3A_112, %add3A_116 : vector<576x192xf32>
    %slice3A = vector.extract_strided_slice %add3A_117 {offsets = [0, 0], sizes = [576, 96], strides = [1, 1]} : vector<576x192xf32> to vector<576x96xf32>
    %slice3A_118 = vector.extract_strided_slice %add3A_117 {offsets = [0, 96], sizes = [576, 96], strides = [1, 1]} : vector<576x192xf32> to vector<576x96xf32>
    %reshape3A = vector.shape_cast %add3A_11 : vector<1152x96xf32> to vector<8x144x96xf32>
    %reshape3A_119 = vector.shape_cast %slice3A : vector<576x96xf32> to vector<8x72x96xf32>
    %reshape3A_120 = vector.shape_cast %slice3A_118 : vector<576x96xf32> to vector<8x72x96xf32>
    %dot_general3A_121 = arith.constant dense<0.000000e+00> : vector<8x144x72xf32>
    %dot_general3A_122 = tpu.matmul %reshape3A, %reshape3A_119, %dot_general3A_121 {dimension_numbers = #tpu.dot_dimension_numbers<[2], [2], [1], [1], [0, 0, 0, 1, 1, 1], [0], [0]>, precision = #tpu.contract_precision<fp32>, transpose_lhs_hint = false} : vector<8x144x96xf32>, vector<8x72x96xf32>, vector<8x144x72xf32> -> vector<8x144x72xf32>
    %mul3A = arith.constant 2.000000e+00 : f32
    %mul3A_123 = vector.broadcast %mul3A : f32 to vector<8x144x72xf32>
    %mul3A_124 = arith.mulf %mul3A_123, %dot_general3A_122 : vector<8x144x72xf32>
    %mul3A_125 = arith.mulf %reshape3A_119, %reshape3A_119 : vector<8x72x96xf32>
    %reduce_sum3A = arith.constant dense<0.000000e+00> : vector<8x72xf32>
    %reduce_sum3A_126 = vector.multi_reduction <add>, %mul3A_125, %reduce_sum3A [2] : vector<8x72x96xf32> to vector<8x72xf32>
    %broadcast_in_dim3A = vector.shape_cast %reduce_sum3A_126 : vector<8x72xf32> to vector<8x1x72xf32>
    %sub3A = vector.broadcast %broadcast_in_dim3A : vector<8x1x72xf32> to vector<8x144x72xf32>
    %sub3A_127 = arith.subf %mul3A_124, %sub3A : vector<8x144x72xf32>
    %mul3A_128 = arith.constant 0.102062076 : f32
    %mul3A_129 = vector.broadcast %mul3A_128 : f32 to vector<8x144x72xf32>
    %mul3A_130 = arith.mulf %sub3A_127, %mul3A_129 : vector<8x144x72xf32>
    %reduce_max3A = arith.constant dense<0xFF800000> : vector<8x144xf32>
    %reduce_max3A_131 = vector.multi_reduction <maximumf>, %mul3A_130, %reduce_max3A [2] : vector<8x144x72xf32> to vector<8x144xf32>
    %broadcast_in_dim3A_132 = vector.shape_cast %reduce_max3A_131 : vector<8x144xf32> to vector<8x144x1xf32>
    %sub3A_133 = vector.broadcast %broadcast_in_dim3A_132 : vector<8x144x1xf32> to vector<8x144x72xf32>
    %sub3A_134 = arith.subf %mul3A_130, %sub3A_133 : vector<8x144x72xf32>
    %exp3A = math.exp %sub3A_134 : vector<8x144x72xf32>
    %reduce_sum3A_135 = arith.constant dense<0.000000e+00> : vector<8x144xf32>
    %reduce_sum3A_136 = vector.multi_reduction <add>, %exp3A, %reduce_sum3A_135 [2] : vector<8x144x72xf32> to vector<8x144xf32>
    %broadcast_in_dim3A_137 = vector.shape_cast %reduce_sum3A_136 : vector<8x144xf32> to vector<8x144x1xf32>
    %div3A = vector.broadcast %broadcast_in_dim3A_137 : vector<8x144x1xf32> to vector<8x144x72xf32>
    %div3A_138 = arith.divf %exp3A, %div3A : vector<8x144x72xf32>
    %dot_general3A_139 = arith.constant dense<0.000000e+00> : vector<8x144x96xf32>
    %dot_general3A_140 = tpu.matmul %div3A_138, %reshape3A_120, %dot_general3A_139 {dimension_numbers = #tpu.dot_dimension_numbers<[2], [1], [1], [2], [0, 0, 0, 1, 1, 2], [0], [0]>, precision = #tpu.contract_precision<fp32>, transpose_lhs_hint = false} : vector<8x144x72xf32>, vector<8x72x96xf32>, vector<8x144x96xf32> -> vector<8x144x96xf32>
    %reshape3A_141 = vector.shape_cast %dot_general3A_140 : vector<8x144x96xf32> to vector<1152x96xf32>
    %get3A_142 = arith.constant 0 : index
    %get3A_143 = arith.constant 0 : index
    %get3A_144 = vector.load %arg24[%get3A_142, %get3A_143] : memref<96x96xf32, #tpu.memory_space<vmem>>, vector<96x96xf32>
    %dot_general3A_145 = arith.constant dense<0.000000e+00> : vector<1152x96xf32>
    %dot_general3A_146 = tpu.matmul %get3A_3, %get3A_144, %dot_general3A_145 {dimension_numbers = #tpu.dot_dimension_numbers<[1], [0], [0], [1], [0, 0, 1, 1], [], []>, precision = #tpu.contract_precision<fp32>, transpose_lhs_hint = false} : vector<1152x96xf32>, vector<96x96xf32>, vector<1152x96xf32> -> vector<1152x96xf32>
    %get3A_147 = arith.constant 0 : index
    %get3A_148 = arith.constant 0 : index
    %get3A_149 = vector.load %arg25[%get3A_147, %get3A_148] : memref<96x96xf32, #tpu.memory_space<vmem>>, vector<96x96xf32>
    %dot_general3A_150 = arith.constant dense<0.000000e+00> : vector<1152x96xf32>
    %dot_general3A_151 = tpu.matmul %reshape3A_141, %get3A_149, %dot_general3A_150 {dimension_numbers = #tpu.dot_dimension_numbers<[1], [0], [0], [1], [0, 0, 1, 1], [], []>, precision = #tpu.contract_precision<fp32>, transpose_lhs_hint = false} : vector<1152x96xf32>, vector<96x96xf32>, vector<1152x96xf32> -> vector<1152x96xf32>
    %add3A_152 = arith.addf %dot_general3A_146, %dot_general3A_151 : vector<1152x96xf32>
    %get3A_153 = arith.constant 0 : index
    %get3A_154 = arith.constant 0 : index
    %get3A_155 = vector.load %arg26[%get3A_153, %get3A_154] : memref<1x96xf32, #tpu.memory_space<vmem>>, vector<1x96xf32>
    %add3A_156 = vector.broadcast %get3A_155 : vector<1x96xf32> to vector<1152x96xf32>
    %add3A_157 = arith.addf %add3A_152, %add3A_156 : vector<1152x96xf32>
    %swap3A = arith.constant 0 : index
    %swap3A_158 = arith.constant 0 : index
    %swap3A_159 = arith.constant 0 : index
    %swap3A_160 = vector.load %arg27[%swap3A, %swap3A_158, %swap3A_159] : memref<1x1152x96xf32, #tpu.memory_space<vmem>>, vector<1x1152x96xf32>
    %swap3A_161 = vector.shape_cast %swap3A_160 : vector<1x1152x96xf32> to vector<1152x96xf32>
    %swap3A_162 = vector.shape_cast %add3A_157 : vector<1152x96xf32> to vector<1x1152x96xf32>
    tpu.vector_store %arg27[%swap3A, %swap3A_158, %swap3A_159], %swap3A_162 {strides = array<i32>} : memref<1x1152x96xf32, #tpu.memory_space<vmem>>, vector<1x1152x96xf32>,
    return
  }
  func.func @transform_0(%arg0: i32, %arg1: i32, %arg2: memref<4096xi32, #tpu.memory_space<smem>>) -> (i32, i32, i32) {
    %c0_i32 = arith.constant 0 : i32
    %c0_i32_0 = arith.constant 0 : i32
    return %arg0, %arg1, %c0_i32 : i32, i32, i32
  }
  func.func @transform_1(%arg0: i32, %arg1: i32, %arg2: memref<4096xi32, #tpu.memory_space<smem>>) -> (i32, i32, i32, i32) {
    %mul3A = arith.constant 1024 : i32
    %mul3A_0 = arith.muli %arg0, %mul3A : i32
    %mul3A_1 = arith.constant 8 : i32
    %mul3A_2 = arith.muli %mul3A_1, %arg1 : i32
    %add3A = arith.addi %mul3A_0, %mul3A_2 : i32
    %add3A_3 = arith.constant 0 : i32
    %add3A_4 = arith.addi %add3A, %add3A_3 : i32
    %mul3A_5 = arith.constant 2 : i32
    %mul3A_6 = arith.muli %add3A_4, %mul3A_5 : i32
    %add3A_7 = arith.constant 0 : i32
    %add3A_8 = arith.addi %mul3A_6, %add3A_7 : i32
    %get3A = arith.index_cast %add3A_8 : i32 to index
    %get3A_9 = memref.load %arg2[%get3A] : memref<4096xi32, #tpu.memory_space<smem>>
    %c0_i32 = arith.constant 0 : i32
    %c0_i32_10 = arith.constant 0 : i32
    %c0_i32_11 = arith.constant 0 : i32
    return %arg0, %get3A_9, %c0_i32, %c0_i32_10 : i32, i32, i32, i32
  }
  func.func @transform_2(%arg0: i32, %arg1: i32, %arg2: memref<4096xi32, #tpu.memory_space<smem>>) -> (i32, i32, i32, i32) {
    %mul3A = arith.constant 1024 : i32
    %mul3A_0 = arith.muli %arg0, %mul3A : i32
    %mul3A_1 = arith.constant 8 : i32
    %mul3A_2 = arith.muli %mul3A_1, %arg1 : i32
    %add3A = arith.addi %mul3A_0, %mul3A_2 : i32
    %add3A_3 = arith.constant 0 : i32
    %add3A_4 = arith.addi %add3A, %add3A_3 : i32
    %mul3A_5 = arith.constant 2 : i32
    %mul3A_6 = arith.muli %add3A_4, %mul3A_5 : i32
    %add3A_7 = arith.constant 1 : i32
    %add3A_8 = arith.addi %mul3A_6, %add3A_7 : i32
    %get3A = arith.index_cast %add3A_8 : i32 to index
    %get3A_9 = memref.load %arg2[%get3A] : memref<4096xi32, #tpu.memory_space<smem>>
    %c0_i32 = arith.constant 0 : i32
    %c0_i32_10 = arith.constant 0 : i32
    %c0_i32_11 = arith.constant 0 : i32
    return %arg0, %get3A_9, %c0_i32, %c0_i32_10 : i32, i32, i32, i32
  }
  func.func @transform_3(%arg0: i32, %arg1: i32, %arg2: memref<4096xi32, #tpu.memory_space<smem>>) -> (i32, i32, i32, i32) {
    %mul3A = arith.constant 1024 : i32
    %mul3A_0 = arith.muli %arg0, %mul3A : i32
    %mul3A_1 = arith.constant 8 : i32
    %mul3A_2 = arith.muli %mul3A_1, %arg1 : i32
    %add3A = arith.addi %mul3A_0, %mul3A_2 : i32
    %add3A_3 = arith.constant 1 : i32
    %add3A_4 = arith.addi %add3A, %add3A_3 : i32
    %mul3A_5 = arith.constant 2 : i32
    %mul3A_6 = arith.muli %add3A_4, %mul3A_5 : i32
    %add3A_7 = arith.constant 0 : i32
    %add3A_8 = arith.addi %mul3A_6, %add3A_7 : i32
    %get3A = arith.index_cast %add3A_8 : i32 to index
    %get3A_9 = memref.load %arg2[%get3A] : memref<4096xi32, #tpu.memory_space<smem>>
    %c0_i32 = arith.constant 0 : i32
    %c0_i32_10 = arith.constant 0 : i32
    %c0_i32_11 = arith.constant 0 : i32
    return %arg0, %get3A_9, %c0_i32, %c0_i32_10 : i32, i32, i32, i32
  }
  func.func @transform_4(%arg0: i32, %arg1: i32, %arg2: memref<4096xi32, #tpu.memory_space<smem>>) -> (i32, i32, i32, i32) {
    %mul3A = arith.constant 1024 : i32
    %mul3A_0 = arith.muli %arg0, %mul3A : i32
    %mul3A_1 = arith.constant 8 : i32
    %mul3A_2 = arith.muli %mul3A_1, %arg1 : i32
    %add3A = arith.addi %mul3A_0, %mul3A_2 : i32
    %add3A_3 = arith.constant 1 : i32
    %add3A_4 = arith.addi %add3A, %add3A_3 : i32
    %mul3A_5 = arith.constant 2 : i32
    %mul3A_6 = arith.muli %add3A_4, %mul3A_5 : i32
    %add3A_7 = arith.constant 1 : i32
    %add3A_8 = arith.addi %mul3A_6, %add3A_7 : i32
    %get3A = arith.index_cast %add3A_8 : i32 to index
    %get3A_9 = memref.load %arg2[%get3A] : memref<4096xi32, #tpu.memory_space<smem>>
    %c0_i32 = arith.constant 0 : i32
    %c0_i32_10 = arith.constant 0 : i32
    %c0_i32_11 = arith.constant 0 : i32
    return %arg0, %get3A_9, %c0_i32, %c0_i32_10 : i32, i32, i32, i32
  }
  func.func @transform_5(%arg0: i32, %arg1: i32, %arg2: memref<4096xi32, #tpu.memory_space<smem>>) -> (i32, i32, i32, i32) {
    %mul3A = arith.constant 1024 : i32
    %mul3A_0 = arith.muli %arg0, %mul3A : i32
    %mul3A_1 = arith.constant 8 : i32
    %mul3A_2 = arith.muli %mul3A_1, %arg1 : i32
    %add3A = arith.addi %mul3A_0, %mul3A_2 : i32
    %add3A_3 = arith.constant 2 : i32
    %add3A_4 = arith.addi %add3A, %add3A_3 : i32
    %mul3A_5 = arith.constant 2 : i32
    %mul3A_6 = arith.muli %add3A_4, %mul3A_5 : i32
    %add3A_7 = arith.constant 0 : i32
    %add3A_8 = arith.addi %mul3A_6, %add3A_7 : i32
    %get3A = arith.index_cast %add3A_8 : i32 to index
    %get3A_9 = memref.load %arg2[%get3A] : memref<4096xi32, #tpu.memory_space<smem>>
    %c0_i32 = arith.constant 0 : i32
    %c0_i32_10 = arith.constant 0 : i32
    %c0_i32_11 = arith.constant 0 : i32
    return %arg0, %get3A_9, %c0_i32, %c0_i32_10 : i32, i32, i32, i32
  }
  func.func @transform_6(%arg0: i32, %arg1: i32, %arg2: memref<4096xi32, #tpu.memory_space<smem>>) -> (i32, i32, i32, i32) {
    %mul3A = arith.constant 1024 : i32
    %mul3A_0 = arith.muli %arg0, %mul3A : i32
    %mul3A_1 = arith.constant 8 : i32
    %mul3A_2 = arith.muli %mul3A_1, %arg1 : i32
    %add3A = arith.addi %mul3A_0, %mul3A_2 : i32
    %add3A_3 = arith.constant 2 : i32
    %add3A_4 = arith.addi %add3A, %add3A_3 : i32
    %mul3A_5 = arith.constant 2 : i32
    %mul3A_6 = arith.muli %add3A_4, %mul3A_5 : i32
    %add3A_7 = arith.constant 1 : i32
    %add3A_8 = arith.addi %mul3A_6, %add3A_7 : i32
    %get3A = arith.index_cast %add3A_8 : i32 to index
    %get3A_9 = memref.load %arg2[%get3A] : memref<4096xi32, #tpu.memory_space<smem>>
    %c0_i32 = arith.constant 0 : i32
    %c0_i32_10 = arith.constant 0 : i32
    %c0_i32_11 = arith.constant 0 : i32
    return %arg0, %get3A_9, %c0_i32, %c0_i32_10 : i32, i32, i32, i32
  }
  func.func @transform_7(%arg0: i32, %arg1: i32, %arg2: memref<4096xi32, #tpu.memory_space<smem>>) -> (i32, i32, i32, i32) {
    %mul3A = arith.constant 1024 : i32
    %mul3A_0 = arith.muli %arg0, %mul3A : i32
    %mul3A_1 = arith.constant 8 : i32
    %mul3A_2 = arith.muli %mul3A_1, %arg1 : i32
    %add3A = arith.addi %mul3A_0, %mul3A_2 : i32
    %add3A_3 = arith.constant 3 : i32
    %add3A_4 = arith.addi %add3A, %add3A_3 : i32
    %mul3A_5 = arith.constant 2 : i32
    %mul3A_6 = arith.muli %add3A_4, %mul3A_5 : i32
    %add3A_7 = arith.constant 0 : i32
    %add3A_8 = arith.addi %mul3A_6, %add3A_7 : i32
    %get3A = arith.index_cast %add3A_8 : i32 to index
    %get3A_9 = memref.load %arg2[%get3A] : memref<4096xi32, #tpu.memory_space<smem>>
    %c0_i32 = arith.constant 0 : i32
    %c0_i32_10 = arith.constant 0 : i32
    %c0_i32_11 = arith.constant 0 : i32
    return %arg0, %get3A_9, %c0_i32, %c0_i32_10 : i32, i32, i32, i32
  }
  func.func @transform_8(%arg0: i32, %arg1: i32, %arg2: memref<4096xi32, #tpu.memory_space<smem>>) -> (i32, i32, i32, i32) {
    %mul3A = arith.constant 1024 : i32
    %mul3A_0 = arith.muli %arg0, %mul3A : i32
    %mul3A_1 = arith.constant 8 : i32
    %mul3A_2 = arith.muli %mul3A_1, %arg1 : i32
    %add3A = arith.addi %mul3A_0, %mul3A_2 : i32
    %add3A_3 = arith.constant 3 : i32
    %add3A_4 = arith.addi %add3A, %add3A_3 : i32
    %mul3A_5 = arith.constant 2 : i32
    %mul3A_6 = arith.muli %add3A_4, %mul3A_5 : i32
    %add3A_7 = arith.constant 1 : i32
    %add3A_8 = arith.addi %mul3A_6, %add3A_7 : i32
    %get3A = arith.index_cast %add3A_8 : i32 to index
    %get3A_9 = memref.load %arg2[%get3A] : memref<4096xi32, #tpu.memory_space<smem>>
    %c0_i32 = arith.constant 0 : i32
    %c0_i32_10 = arith.constant 0 : i32
    %c0_i32_11 = arith.constant 0 : i32
    return %arg0, %get3A_9, %c0_i32, %c0_i32_10 : i32, i32, i32, i32
  }
  func.func @transform_9(%arg0: i32, %arg1: i32, %arg2: memref<4096xi32, #tpu.memory_space<smem>>) -> (i32, i32, i32, i32) {
    %mul3A = arith.constant 1024 : i32
    %mul3A_0 = arith.muli %arg0, %mul3A : i32
    %mul3A_1 = arith.constant 8 : i32
    %mul3A_2 = arith.muli %mul3A_1, %arg1 : i32
    %add3A = arith.addi %mul3A_0, %mul3A_2 : i32
    %add3A_3 = arith.constant 4 : i32
    %add3A_4 = arith.addi %add3A, %add3A_3 : i32
    %mul3A_5 = arith.constant 2 : i32
    %mul3A_6 = arith.muli %add3A_4, %mul3A_5 : i32
    %add3A_7 = arith.constant 0 : i32
    %add3A_8 = arith.addi %mul3A_6, %add3A_7 : i32
    %get3A = arith.index_cast %add3A_8 : i32 to index
    %get3A_9 = memref.load %arg2[%get3A] : memref<4096xi32, #tpu.memory_space<smem>>
    %c0_i32 = arith.constant 0 : i32
    %c0_i32_10 = arith.constant 0 : i32
    %c0_i32_11 = arith.constant 0 : i32
    return %arg0, %get3A_9, %c0_i32, %c0_i32_10 : i32, i32, i32, i32
  }
  func.func @transform_10(%arg0: i32, %arg1: i32, %arg2: memref<4096xi32, #tpu.memory_space<smem>>) -> (i32, i32, i32, i32) {
    %mul3A = arith.constant 1024 : i32
    %mul3A_0 = arith.muli %arg0, %mul3A : i32
    %mul3A_1 = arith.constant 8 : i32
    %mul3A_2 = arith.muli %mul3A_1, %arg1 : i32
    %add3A = arith.addi %mul3A_0, %mul3A_2 : i32
    %add3A_3 = arith.constant 4 : i32
    %add3A_4 = arith.addi %add3A, %add3A_3 : i32
    %mul3A_5 = arith.constant 2 : i32
    %mul3A_6 = arith.muli %add3A_4, %mul3A_5 : i32
    %add3A_7 = arith.constant 1 : i32
    %add3A_8 = arith.addi %mul3A_6, %add3A_7 : i32
    %get3A = arith.index_cast %add3A_8 : i32 to index
    %get3A_9 = memref.load %arg2[%get3A] : memref<4096xi32, #tpu.memory_space<smem>>
    %c0_i32 = arith.constant 0 : i32
    %c0_i32_10 = arith.constant 0 : i32
    %c0_i32_11 = arith.constant 0 : i32
    return %arg0, %get3A_9, %c0_i32, %c0_i32_10 : i32, i32, i32, i32
  }
  func.func @transform_11(%arg0: i32, %arg1: i32, %arg2: memref<4096xi32, #tpu.memory_space<smem>>) -> (i32, i32, i32, i32) {
    %mul3A = arith.constant 1024 : i32
    %mul3A_0 = arith.muli %arg0, %mul3A : i32
    %mul3A_1 = arith.constant 8 : i32
    %mul3A_2 = arith.muli %mul3A_1, %arg1 : i32
    %add3A = arith.addi %mul3A_0, %mul3A_2 : i32
    %add3A_3 = arith.constant 5 : i32
    %add3A_4 = arith.addi %add3A, %add3A_3 : i32
    %mul3A_5 = arith.constant 2 : i32
    %mul3A_6 = arith.muli %add3A_4, %mul3A_5 : i32
    %add3A_7 = arith.constant 0 : i32
    %add3A_8 = arith.addi %mul3A_6, %add3A_7 : i32
    %get3A = arith.index_cast %add3A_8 : i32 to index
    %get3A_9 = memref.load %arg2[%get3A] : memref<4096xi32, #tpu.memory_space<smem>>
    %c0_i32 = arith.constant 0 : i32
    %c0_i32_10 = arith.constant 0 : i32
    %c0_i32_11 = arith.constant 0 : i32
    return %arg0, %get3A_9, %c0_i32, %c0_i32_10 : i32, i32, i32, i32
  }
  func.func @transform_12(%arg0: i32, %arg1: i32, %arg2: memref<4096xi32, #tpu.memory_space<smem>>) -> (i32, i32, i32, i32) {
    %mul3A = arith.constant 1024 : i32
    %mul3A_0 = arith.muli %arg0, %mul3A : i32
    %mul3A_1 = arith.constant 8 : i32
    %mul3A_2 = arith.muli %mul3A_1, %arg1 : i32
    %add3A = arith.addi %mul3A_0, %mul3A_2 : i32
    %add3A_3 = arith.constant 5 : i32
    %add3A_4 = arith.addi %add3A, %add3A_3 : i32
    %mul3A_5 = arith.constant 2 : i32
    %mul3A_6 = arith.muli %add3A_4, %mul3A_5 : i32
    %add3A_7 = arith.constant 1 : i32
    %add3A_8 = arith.addi %mul3A_6, %add3A_7 : i32
    %get3A = arith.index_cast %add3A_8 : i32 to index
    %get3A_9 = memref.load %arg2[%get3A] : memref<4096xi32, #tpu.memory_space<smem>>
    %c0_i32 = arith.constant 0 : i32
    %c0_i32_10 = arith.constant 0 : i32
    %c0_i32_11 = arith.constant 0 : i32
    return %arg0, %get3A_9, %c0_i32, %c0_i32_10 : i32, i32, i32, i32
  }
  func.func @transform_13(%arg0: i32, %arg1: i32, %arg2: memref<4096xi32, #tpu.memory_space<smem>>) -> (i32, i32, i32, i32) {
    %mul3A = arith.constant 1024 : i32
    %mul3A_0 = arith.muli %arg0, %mul3A : i32
    %mul3A_1 = arith.constant 8 : i32
    %mul3A_2 = arith.muli %mul3A_1, %arg1 : i32
    %add3A = arith.addi %mul3A_0, %mul3A_2 : i32
    %add3A_3 = arith.constant 6 : i32
    %add3A_4 = arith.addi %add3A, %add3A_3 : i32
    %mul3A_5 = arith.constant 2 : i32
    %mul3A_6 = arith.muli %add3A_4, %mul3A_5 : i32
    %add3A_7 = arith.constant 0 : i32
    %add3A_8 = arith.addi %mul3A_6, %add3A_7 : i32
    %get3A = arith.index_cast %add3A_8 : i32 to index
    %get3A_9 = memref.load %arg2[%get3A] : memref<4096xi32, #tpu.memory_space<smem>>
    %c0_i32 = arith.constant 0 : i32
    %c0_i32_10 = arith.constant 0 : i32
    %c0_i32_11 = arith.constant 0 : i32
    return %arg0, %get3A_9, %c0_i32, %c0_i32_10 : i32, i32, i32, i32
  }
  func.func @transform_14(%arg0: i32, %arg1: i32, %arg2: memref<4096xi32, #tpu.memory_space<smem>>) -> (i32, i32, i32, i32) {
    %mul3A = arith.constant 1024 : i32
    %mul3A_0 = arith.muli %arg0, %mul3A : i32
    %mul3A_1 = arith.constant 8 : i32
    %mul3A_2 = arith.muli %mul3A_1, %arg1 : i32
    %add3A = arith.addi %mul3A_0, %mul3A_2 : i32
    %add3A_3 = arith.constant 6 : i32
    %add3A_4 = arith.addi %add3A, %add3A_3 : i32
    %mul3A_5 = arith.constant 2 : i32
    %mul3A_6 = arith.muli %add3A_4, %mul3A_5 : i32
    %add3A_7 = arith.constant 1 : i32
    %add3A_8 = arith.addi %mul3A_6, %add3A_7 : i32
    %get3A = arith.index_cast %add3A_8 : i32 to index
    %get3A_9 = memref.load %arg2[%get3A] : memref<4096xi32, #tpu.memory_space<smem>>
    %c0_i32 = arith.constant 0 : i32
    %c0_i32_10 = arith.constant 0 : i32
    %c0_i32_11 = arith.constant 0 : i32
    return %arg0, %get3A_9, %c0_i32, %c0_i32_10 : i32, i32, i32, i32
  }
  func.func @transform_15(%arg0: i32, %arg1: i32, %arg2: memref<4096xi32, #tpu.memory_space<smem>>) -> (i32, i32, i32, i32) {
    %mul3A = arith.constant 1024 : i32
    %mul3A_0 = arith.muli %arg0, %mul3A : i32
    %mul3A_1 = arith.constant 8 : i32
    %mul3A_2 = arith.muli %mul3A_1, %arg1 : i32
    %add3A = arith.addi %mul3A_0, %mul3A_2 : i32
    %add3A_3 = arith.constant 7 : i32
    %add3A_4 = arith.addi %add3A, %add3A_3 : i32
    %mul3A_5 = arith.constant 2 : i32
    %mul3A_6 = arith.muli %add3A_4, %mul3A_5 : i32
    %add3A_7 = arith.constant 0 : i32
    %add3A_8 = arith.addi %mul3A_6, %add3A_7 : i32
    %get3A = arith.index_cast %add3A_8 : i32 to index
    %get3A_9 = memref.load %arg2[%get3A] : memref<4096xi32, #tpu.memory_space<smem>>
    %c0_i32 = arith.constant 0 : i32
    %c0_i32_10 = arith.constant 0 : i32
    %c0_i32_11 = arith.constant 0 : i32
    return %arg0, %get3A_9, %c0_i32, %c0_i32_10 : i32, i32, i32, i32
  }
  func.func @transform_16(%arg0: i32, %arg1: i32, %arg2: memref<4096xi32, #tpu.memory_space<smem>>) -> (i32, i32, i32, i32) {
    %mul3A = arith.constant 1024 : i32
    %mul3A_0 = arith.muli %arg0, %mul3A : i32
    %mul3A_1 = arith.constant 8 : i32
    %mul3A_2 = arith.muli %mul3A_1, %arg1 : i32
    %add3A = arith.addi %mul3A_0, %mul3A_2 : i32
    %add3A_3 = arith.constant 7 : i32
    %add3A_4 = arith.addi %add3A, %add3A_3 : i32
    %mul3A_5 = arith.constant 2 : i32
    %mul3A_6 = arith.muli %add3A_4, %mul3A_5 : i32
    %add3A_7 = arith.constant 1 : i32
    %add3A_8 = arith.addi %mul3A_6, %add3A_7 : i32
    %get3A = arith.index_cast %add3A_8 : i32 to index
    %get3A_9 = memref.load %arg2[%get3A] : memref<4096xi32, #tpu.memory_space<smem>>
    %c0_i32 = arith.constant 0 : i32
    %c0_i32_10 = arith.constant 0 : i32
    %c0_i32_11 = arith.constant 0 : i32
    return %arg0, %get3A_9, %c0_i32, %c0_i32_10 : i32, i32, i32, i32
  }
  func.func @transform_17(%arg0: i32, %arg1: i32, %arg2: memref<4096xi32, #tpu.memory_space<smem>>) -> (i32, i32) {
    %c0_i32 = arith.constant 0 : i32
    %c0_i32_0 = arith.constant 0 : i32
    %c0_i32_1 = arith.constant 0 : i32
    return %c0_i32, %c0_i32_0 : i32, i32
  }
  func.func @transform_18(%arg0: i32, %arg1: i32, %arg2: memref<4096xi32, #tpu.memory_space<smem>>) -> (i32, i32) {
    %c0_i32 = arith.constant 0 : i32
    %c0_i32_0 = arith.constant 0 : i32
    %c0_i32_1 = arith.constant 0 : i32
    return %c0_i32, %c0_i32_0 : i32, i32
  }
  func.func @transform_19(%arg0: i32, %arg1: i32, %arg2: memref<4096xi32, #tpu.memory_space<smem>>) -> (i32, i32) {
    %c0_i32 = arith.constant 0 : i32
    %c0_i32_0 = arith.constant 0 : i32
    %c0_i32_1 = arith.constant 0 : i32
    return %c0_i32, %c0_i32_0 : i32, i32
  }
  func.func @transform_20(%arg0: i32, %arg1: i32, %arg2: memref<4096xi32, #tpu.memory_space<smem>>) -> (i32, i32) {
    %c0_i32 = arith.constant 0 : i32
    %c0_i32_0 = arith.constant 0 : i32
    %c0_i32_1 = arith.constant 0 : i32
    return %c0_i32, %c0_i32_0 : i32, i32
  }
  func.func @transform_21(%arg0: i32, %arg1: i32, %arg2: memref<4096xi32, #tpu.memory_space<smem>>) -> (i32, i32) {
    %c0_i32 = arith.constant 0 : i32
    %c0_i32_0 = arith.constant 0 : i32
    %c0_i32_1 = arith.constant 0 : i32
    return %c0_i32, %c0_i32_0 : i32, i32
  }
  func.func @transform_22(%arg0: i32, %arg1: i32, %arg2: memref<4096xi32, #tpu.memory_space<smem>>) -> (i32, i32) {
    %c0_i32 = arith.constant 0 : i32
    %c0_i32_0 = arith.constant 0 : i32
    %c0_i32_1 = arith.constant 0 : i32
    return %c0_i32, %c0_i32_0 : i32, i32
  }
  func.func @transform_23(%arg0: i32, %arg1: i32, %arg2: memref<4096xi32, #tpu.memory_space<smem>>) -> (i32, i32) {
    %c0_i32 = arith.constant 0 : i32
    %c0_i32_0 = arith.constant 0 : i32
    %c0_i32_1 = arith.constant 0 : i32
    return %c0_i32, %c0_i32_0 : i32, i32
  }
  func.func @transform_24(%arg0: i32, %arg1: i32, %arg2: memref<4096xi32, #tpu.memory_space<smem>>) -> (i32, i32, i32) {
    %c0_i32 = arith.constant 0 : i32
    %c0_i32_0 = arith.constant 0 : i32
    return %arg0, %arg1, %c0_i32 : i32, i32, i32
  }
}

</mosaic_0001>

<sc_bundles>
// kernel: sparse-core-data-format-call.1.cloned.1.call-start
scs
called_computation.1_lowered:
.L_overlay_start_0:
0x0: {  	s1 =	sld [smem:$0x3FD9]  }
0x1: {  	s2 =	sld [smem:$0x3FFE];
	_ =	sdelay $0x1  }
0x2: {  	s3 =	srdreg.scid  }
0x3: {  	s0 =	sand.u32 $0x1, s3  }
0x4: {  	s17 =	sshll.u32 s0, $0xA;
	s1 =	sadd.s32 s2, s1  }
0x5: {  	s1 =	sadd.s32 s1, s17  }
0x6: {  	[smem:$0x3FBE] =	sst s1  }
0x7: {  	_ = 	snop  }
0x8: {  	(tm) =	ssettm $0x1  }
0x9: {  	s18 =	sld [smem:$0x3FFB];
	_ =	sdelay $0x3  }
0xa: {  	_ =	strace s18  }
0xb: {  	s1 =	sld [smem:$0x3FFC];
	_ =	sdelay $0x3  }
0xc: {  	_ =	strace s1  }
0xd: {  	s1 =	sld [smem:$0x3FFD];
	_ =	sdelay $0x3  }
0xe: {  	_ =	strace s1  }
0xf: {  	_ =	strace $0x8FFFFFFF  }
0x10: {  	s19 =	sld [smem:$0x3FDB];
	_ =	sdelay $0x1  }
0x11: {  	s20 =	simm.s32 $_scs_section_size  }
0x12: {  	s4 =	simm.s32 $_size__tile_overlayer_lowered;
	s5 =	simm.s32 $_tile_overlayer_lowered  }
0x13: {  	s23 =	simm.s32 $0x1BFF;
	s22 =	sshll.u32 s5, $0x1;
	s1 =	sadd.s32 s20, s19  }
0x14: {  	s6 =	simm.s32 $0x0;
	s21 =	sshll.u32 s4, $0x1;
	s4 =	sadd.s32 s22, s1  }
0x15: {  	[timem:s6], [sflag:s23] =	dma.local [hbm:s4], s21  }
0x16: {  	_ =	swait.ge [sflag:s23], s21  }
0x17: {  	s2 =	ssub.s32 $0x0, s21;
	[sflag:s23] =	ssyncset.done $0x0  }
0x18: {  	[sflag:s23] =	ssyncadd.s32 s2;
	_ =	sdelay $0x1  }
0x19: {  	s24 =	simm.s32 $0x1B8B  }
0x1a: {  	_ =	swait.ge [sflag:s24], $0x1  }
0x1b: {  	[sflag:s24] =	ssyncset.done $0x0  }
0x1c: {  	s26 =	simm.s32 $0x1B8E;
	s25 =	sld [smem:$0x3FFE];
	[sflag:s24] =	ssyncadd.s32 $0xFFFFFFFF  }
0x1d: {  	s27 =	simm.s32 $execute0_lowered;
	[smem:$0x3FD2] =	sst s26  }
0x1e: {  	s4 =	sshll.u32 s27, $0x1;
	_ =	strace $0x8000004C;
	[dreg:$0x1] =	wrdreg $0xFFFFFFFF  }
0x1f: {  	s28 =	simm.s32 $_size_execute0_lowered;
	s1 =	sadd.s32 s1, s4;
	[dreg:$0x0] =	wrdreg $0x0  }
0x20: {  	s4 =	sshll.u32 s28, $0x1;
	[dreg:$0x2] =	wrdreg s1  }
0x21: {  	[dreg:$0x3] =	wrdreg s4  }
0x22: {  	[dreg:$0x4] =	wrdreg $0xC0  }
0x23: {  	_ =	task [dreg:s6], $0x5FFFF  }
0x24: {  	[dreg:$0x1] =	wrdreg $0xFFFFFFFF  }
0x25: {  	[dreg:$0x0] =	wrdreg $0x60  }
0x26: {  	[dreg:$0x2] =	wrdreg s25  }
0x27: {  	[dreg:$0x3] =	wrdreg $0x9  }
0x28: {  	_ =	task.clear_ibuf [dreg:s6], $0x4FFFF;
	_ =	strace $0x9000004C  }
0x29: {  	s29 =	simm.s32 $0x9;
	_ =	strace $0x8000004E  }
0x2a: {  	_ =	swait.ge [sflag:s29], $0x1  }
0x2b: {  	[sflag:s29] =	ssyncadd.s32 $0xFFFFFFFF  }
0x2c: {  	_ =	strace $0x9000004E  }
0x2d: {  	_ =	sfence  }
0x2e: {  	s30 =	sld [smem:$0x0];
	_ =	sdelay $0x2  }
0x2f: {  	s31 =	sshll.u32 s3, $0xD;
	s3 =	sshrl.u32 s3, $0x2  }
0x30: {  	s2 =	sand.u32 $0x4000, s31;
	s1 =	sadd.s32 s3, s30  }
0x31: {  	s0 =	sor.u32 s2, s0;
	s1 =	sshll.u32 s1, $0x11  }
0x32: {  	s0 =	sor.u32 s1, s0  }
0x33: {  	s0 =	sadd.s32 $0x8F2B, s0  }
0x34: {  	[sflag:s0] =	ssyncadd.remote.s32 $0x1  }
0x35: {  	_ =	sfence.sel $0xFFFF  }
0x36: {  	[dreg:$0x0] =	wrdreg $0xFFFFFFFF;
	(pc) =	sbr.abs _section_cstart, $3  }
0x37: {  	[dreg:$0x1] =	wrdreg $0xFFFFFFFF  }
0x38: {  	_ =	task.clear_ibuf [dreg:s6], $0x2FFFF;
	_ =	strace $0x9FFFFFFF  }
0x39: {  	(tm) =	ssettm $0x7FFFFFFF  }
tec
execute0_lowered:
.L_overlay_start_1:
0x0: {  	(tag) =	ssettag $0x1  }
0x1: {  	s1 =	rddreg [dreg:$0x0]  }
0x2: {  	s0 =	rddreg [dreg:$0x1]  }
0x3: {  	_ =	strace $0x8000004D;
	s4 =	srdreg.scid;
	s6 =	simm.s32 $0x2  }
0x4: {  	s13 =	simm.s32 $0x0;
	s7 =	simm.s32 $0xC00;
	s14 =	simm.s32 $0x0  }
0x5: {  	s15 =	simm.s32 $0x0;
	s16 =	simm.s32 $0x0;
	s9 =	simm.s32 $0x0  }
.Ltmp0:
0x6: {  	s10 =	simm.s32 $0x0;
	s11 =	simm.s32 $0x0;
	(pc) =	sbr.rel .LBB1_1-.Ltmp0, $4  }
0x7: {  	s2 =	sadd.s32 $0x3400, s1;
	s3 =	sadd.s32 $0x483400, s1;
	s5 =	sshll.u32 s4, $0x4  }
0x8: {  	s1 =	stileid.u32;
	s4 =	simm.s32 $0x1;
	s5 =	sand.u32 $0x10, s5  }
0x9: {  	s8 =	simm.s32 $0x0;
	[sflag:s4] =	ssyncpa.u1 $0x0;
	s5 =	sor.u32 s1, s5  }
0xa: {  	[sflag:s6] =	ssyncpa.u1 $0x0;
	s6 =	simm.s32 $0x400;
	s12 =	smov.u32 s5  }
.LBB1_9:
0xb: {  	s17 =	sadd.s32 $0x4, s9  }
0xc: {  	s13 =	simm.s32 $0x1;
	p1 =	sgt.s32 s17, $0xB  }
0xd: {  	s13 =	simm.s32 @!p1 $0x0  }
0xe: {  	s18 =	sadd.s32 s13, s10  }
0xf: {  	s19 =	smov.u32 s11;
	s13 =	sadd.s32 $0x10, s11;
	p2 =	sgt.s32 s18, $0xB  }
0x10: {  	s19 =	smov.u32 @p2 s13  }
0x11: {  	s20 =	smov.u32 s12;
	s13 =	sadd.s32 $0x20, s12;
	p3 =	sgt.s32 s19, $0x1F  }
0x12: {  	p0 =	slt.u32 s8, $0x2;
	s20 =	smov.u32 @p3 s13  }
0x13: {  	s8 =	sadd.s32 $0x1, s8;
	s17 =	simm.s32 @p1 $0x0;
	p1 =	sgt.s32 s20, $0x1F  }
0x14: {  	s21 =	simm.s32 @!p0 $0x2;
	s20 =	smov.u32 @p1 s5;
	p1 =	sne.s32 s8, $0x4A  }
.Ltmp1:
0x15: {  	_ =	swait.ge @!p0 [sflag:s21], $0x4000;
	(pc) =	sbr.rel @!p1 .LBB1_10-.Ltmp1, $4  }
0x16: {  	s14 =	smov.u32 s10;
	s15 =	smov.u32 s11;
	[sflag:s21] =	ssyncset.done @!p0 $0x0  }
0x17: {  	s16 =	smov.u32 s12;
	[sflag:s21] =	ssyncadd.s32 @!p0 $0xFFFFC000;
	s18 =	simm.s32 @p2 $0x0  }
0x18: {  	s10 =	smov.u32 s18;
	s19 =	simm.s32 @p3 $0x0;
	s13 =	smov.u32 s9  }
0x19: {  	s9 =	smov.u32 s17;
	s11 =	smov.u32 s19;
	s12 =	smov.u32 s20  }
.LBB1_1:
0x1a: {  	p0 =	sgt.u32 s8, $0x47  }
0x1b: {  	s17 =	smul.u32 @!p0 $0x24000, s12  }
0x1c: {  	s18 =	smul.u32 @!p0 $0x1200, s11  }
0x1d: {  	s19 =	sxor.u32 @!p0 $0xFFFFFFFF, s8;
	s20 =	smul.u32 @!p0 $0x180, s10;
	s17 =	sadd.s32 @!p0 s2, s17  }
0x1e: {  	s19 =	sshll.u32 @!p0 s19, $0xE;
	s17 =	sadd.s32 @!p0 s18, s17  }
0x1f: {  	s18 =	sand.u32 @!p0 $0x4000, s19;
	s19 =	sshll.u32 @!p0 s9, $0x5;
	s17 =	sadd.s32 @!p0 s20, s17  }
0x20: {  	s20 =	simm.s32 @!p0 $0x9000;
	s17 =	sadd.s32 @!p0 s19, s17;
	s19 =	simm.s32 @!p0 $0x400  }
0x21: {  	[tilespmem:s18], [sflag:$0x1] =	stream.strided.gather @!p0 [hbm4b:s17+s19], $0x4000, s20, s19, $0x38;
	[tilespmem:$0x10000] =	vst v63  }
0x22: {  	p0 =	seq.s32 s8, $0x0  }
0x23: {  	p1 =	seq.s32 @!p0 s8, $0x49  }
0x24: {  	p0 =	por p0, p1  }
.Ltmp2:
0x25: {  	_ = 	snop;
	(pc) =	sbr.rel @p0 .LBB1_9-.Ltmp2, $1  }
0x26: {  	_ =	sdelay $0x3  }
0x27: {  	s17 =	sshll.u32 s8, $0xE  }
0x28: {  	s19 =	sand.u32 $0x4000, s17  }
0x29: {  	v0 =	vmov s19  }
0x2a: {  	_ =	swait.ge [sflag:s4], $0x4000  }
0x2b: {  	[sflag:s4] =	ssyncset.done $0x0;
	s17 =	sor.u32 $0x8000, s19  }
0x2c: {  	s18 =	simm.s32 $0x0;
	[sflag:s4] =	ssyncadd.s32 $0xFFFFC000;
	v1 =	vmov s17  }
.LBB1_3:
0x2d: {  	s19 =	sshll.u32 s18, $0xA;
	s20 =	simm.s32 $0x0  }
.LBB1_4:
0x2e: {  	s21 =	sshll.u32 s20, $0x8  }
0x2f: {  	s22 =	simm.s32 $0x0;
	p0 =	por $0x1, $0x1;
	s21 =	sadd.s32 s19, s21  }
.LBB1_5:
0x30: {  	s22 =	sor.u32 s21, s22  }
0x31: {  	s23 =	sor.u32 $0x10, s22;
	v3 =	vld.idx.msk [tilespmem:v0+s22+$0x0 ss:$0x1], $0xffff  }
0x32: {  	s24 =	sor.u32 $0x20, s22;
	v2 =	vld.idx.msk [tilespmem:v0+s23+$0x0 ss:$0x1], $0xffff  }
0x33: {  	s25 =	sor.u32 $0x30, s22;
	v4 =	vld.idx.msk [tilespmem:v0+s24+$0x0 ss:$0x1], $0xffff  }
0x34: {  	s26 =	sor.u32 $0x40, s22;
	v5 =	vld.idx.msk [tilespmem:v0+s25+$0x0 ss:$0x1], $0xffff  }
0x35: {  	s31 =	sor.u32 $0x60, s22;
	v6 =	vld.idx.msk [tilespmem:v0+s26+$0x0 ss:$0x1], $0xffff  }
0x36: {  	s27 =	sor.u32 $0x50, s22;
	[tilespmem:v1+s22+$0x0 ss:$0x1] =	vst.idx.msk $0xffff, v3;
	v3 =	vld.idx.msk [tilespmem:v0+s31+$0x0 ss:$0x1], $0xffff  }
0x37: {  	s22 =	sor.u32 $0x70, s22;
	[tilespmem:v1+s23+$0x0 ss:$0x1] =	vst.idx.msk $0xffff, v2;
	v2 =	vld.idx.msk [tilespmem:v0+s27+$0x0 ss:$0x1], $0xffff  }
0x38: {  	p1 =	por p0, p0;
	[tilespmem:v1+s24+$0x0 ss:$0x1] =	vst.idx.msk $0xffff, v4;
	v63 =	vld.idx.msk [tilespmem:v0+s22+$0x0 ss:$0x1], $0xffff  }
.Ltmp3:
0x39: {  	[tilespmem:v1+s25+$0x0 ss:$0x1] =	vst.idx.msk $0xffff, v5;
	(pc) =	sbr.rel @p1 .LBB1_5-.Ltmp3, $4  }
0x3a: {  	[tilespmem:v1+s26+$0x0 ss:$0x1] =	vst.idx.msk $0xffff, v6  }
0x3b: {  	[tilespmem:v1+s31+$0x0 ss:$0x1] =	vst.idx.msk $0xffff, v3  }
0x3c: {  	[tilespmem:v1+s27+$0x0 ss:$0x1] =	vst.idx.msk $0xffff, v2  }
0x3d: {  	p0 =	por $0x0, $0x0;
	[tilespmem:v1+s22+$0x0 ss:$0x1] =	vst.idx.msk $0xffff, v63;
	s22 =	simm.s32 $0x80  }
0x3e: {  	s20 =	sadd.s32 $0x1, s20  }
0x3f: {  	p0 =	sne.s32 s20, $0x4  }
.Ltmp4:
0x40: {  	_ = 	snop;
	(pc) =	sbr.rel @p0 .LBB1_4-.Ltmp4, $1  }
0x41: {  	_ =	sdelay $0x3  }
0x42: {  	s18 =	sadd.s32 $0x1, s18  }
0x43: {  	p0 =	sne.s32 s18, $0x10  }
.Ltmp5:
0x44: {  	_ = 	snop;
	(pc) =	sbr.rel @p0 .LBB1_3-.Ltmp5, $1  }
0x45: {  	_ =	sdelay $0x3  }
0x46: {  	s16 =	smul.u32 $0x24000, s16  }
0x47: {  	s15 =	smul.u32 $0x180, s15  }
0x48: {  	s14 =	smul.u32 $0x3000, s14  }
.Ltmp6:
0x49: {  	s16 =	sadd.s32 s3, s16;
	(pc) =	sbr.rel .LBB1_9-.Ltmp6, $4  }
0x4a: {  	s15 =	sadd.s32 s15, s16  }
0x4b: {  	s13 =	sshll.u32 s13, $0x5;
	s14 =	sadd.s32 s14, s15  }
0x4c: {  	s13 =	sadd.s32 s13, s14  }
0x4d: {  	[hbm4b:s13+s6] =	stream.strided.scatter [tilespmem:s17], [sflag:$0x2], $0x4000, s7, s6, $0x38;
	[tilespmem:$0x10000] =	vst v63  }
.LBB1_10:
0x4e: {  	_ =	sfence.sel $0x180000  }
0x4f: {  	s2 =	simm.s32 $0x1;
	[bflag:$0x0] =	sbarrier.arrive $0xFFFF  }
0x50: {  	s31 =	simm.s32 $0x2;
	[sflag:s2] =	ssyncpa.u1 $0x1  }
0x51: {  	[sflag:s31] =	ssyncpa.u1 $0x1  }
0x52: {  	p0 =	sne.s32 s1, $0x0;
	_ =	strace $0x9000004D  }
0x53: {  	s0 =	sadd.s32 @!p0 $0x100000, s0;
	[bflag:$0x2] =	sbarrier.arrive $0xFFFF  }
0x54: {  	[sflag:s0] =	ssyncadd.tile.s32 @!p0 $0x1;
	_ =	shalt  }
.Lfunc_end1:
_tile_overlayer_lowered:
.L_overlay_start_2:
0x55: {  	(tag) =	ssettag $0x2  }
0x56: {  	s0 =	rddreg [dreg:$0x0];
	s2 =	stileid.u32  }
0x57: {  	s1 =	rddreg [dreg:$0x1];
	p0 =	sne.s32 s2, $0x0  }
0x58: {  	s3 =	rddreg [dreg:$0x2];
	[bflag:$0x3] =	sbarrier.arrive $0xFFFF;
	s2 =	simm.s32 @!p0 $0x1C01  }
0x59: {  	[timem:s3], [sflag:s2] =	dma.local @!p0 [hbm:s0], s1  }
0x5a: {  	s0 =	simm.s32 @!p0 $0x1  }
0x5b: {  	_ =	swait.ge @!p0 [sflag:s0], s1  }
0x5c: {  	s1 =	ssub.s32 @!p0 $0x0, s1;
	[sflag:s0] =	ssyncset.done @!p0 $0x0  }
0x5d: {  	[sflag:s0] =	ssyncadd.s32 @!p0 s1  }
0x5e: {  	[bflag:$0x3] =	sbarrier.arrive $0xFFFF  }
0x5f: {  	_ =	shalt  }

// kernel: sparse-core-data-format-call.2.cloned.1.call-start
scs
called_computation.2_lowered:
.L_overlay_start_0:
0x0: {  	s2 =	sld [smem:$0x3FD9]  }
0x1: {  	s3 =	sld [smem:$0x3FFE];
	_ =	sdelay $0x1  }
0x2: {  	s1 =	srdreg.scid  }
0x3: {  	s0 =	sand.u32 $0x1, s1  }
0x4: {  	s18 =	sshll.u32 s0, $0xA;
	s2 =	sadd.s32 s3, s2  }
0x5: {  	s2 =	sadd.s32 s2, s18  }
0x6: {  	[smem:$0x3FBE] =	sst s2  }
0x7: {  	_ = 	snop  }
0x8: {  	(tm) =	ssettm $0x1  }
0x9: {  	s19 =	sld [smem:$0x3FFB];
	_ =	sdelay $0x3  }
0xa: {  	_ =	strace s19  }
0xb: {  	s2 =	sld [smem:$0x3FFC];
	_ =	sdelay $0x3  }
0xc: {  	_ =	strace s2  }
0xd: {  	s2 =	sld [smem:$0x3FFD];
	_ =	sdelay $0x3  }
0xe: {  	_ =	strace s2  }
0xf: {  	_ =	strace $0x8FFFFFFF  }
0x10: {  	s20 =	sld [smem:$0x3FDB];
	_ =	sdelay $0x1  }
0x11: {  	s21 =	simm.s32 $_scs_section_size  }
0x12: {  	s4 =	simm.s32 $_size__tile_overlayer_lowered;
	s5 =	simm.s32 $_tile_overlayer_lowered  }
0x13: {  	s6 =	simm.s32 $0x1BFF;
	s22 =	sshll.u32 s5, $0x1;
	s3 =	sadd.s32 s21, s20  }
0x14: {  	s23 =	simm.s32 $0x0;
	s4 =	sshll.u32 s4, $0x1;
	s5 =	sadd.s32 s22, s3  }
0x15: {  	[timem:s23], [sflag:s6] =	dma.local [hbm:s5], s4  }
0x16: {  	_ =	swait.ge [sflag:s6], s4  }
0x17: {  	s4 =	ssub.s32 $0x0, s4;
	[sflag:s6] =	ssyncset.done $0x0  }
0x18: {  	[sflag:s6] =	ssyncadd.s32 s4;
	_ =	sdelay $0x1  }
0x19: {  	s24 =	simm.s32 $0x1B8B  }
0x1a: {  	_ =	swait.ge [sflag:s24], $0x1  }
0x1b: {  	[sflag:s24] =	ssyncset.done $0x0  }
0x1c: {  	[sflag:s24] =	ssyncadd.s32 $0xFFFFFFFF  }
0x1d: {  	s4 =	sld [smem:$0x0]  }
0x1e: {  	s5 =	sand.u32 $0xFFFFFFFE, s1  }
0x1f: {  	p0 =	sne.s32 s1, s5  }
0x20: {  	s5 =	sshll.u32 @p0 s5, $0xE  }
0x21: {  	s5 =	sadd.s32 @p0 $0x11B8D, s5;
	s6 =	sshll.u32 @p0 s4, $0x11  }
0x22: {  	s5 =	sor.u32 @p0 s6, s5  }
0x23: {  	[sflag:s5] =	ssyncadd.remote.s32 @p0 $0x1;
	_ =	sdelay $0x1  }
0x24: {  	s5 =	simm.s32 @p0 $0x1B8D  }
0x25: {  	_ =	swait.eq @p0 [sflag:s5], $0x1  }
0x26: {  	[sflag:s5] =	ssyncadd.s32 @p0 $0xFFFFFFFF  }
0x27: {  	s6 =	sshll.u32 @!p0 s1, $0xE  }
0x28: {  	s6 =	sor.u32 @!p0 $0x4000, s6;
	s5 =	simm.s32 @!p0 $0x1B8D  }
0x29: {  	s4 =	sshll.u32 @!p0 s4, $0x11;
	s6 =	sadd.s32 @!p0 $0x11B8D, s6;
	_ =	swait.eq @!p0 [sflag:s5], $0x1  }
0x2a: {  	s4 =	sor.u32 @!p0 s4, s6;
	[sflag:s5] =	ssyncadd.s32 @!p0 $0xFFFFFFFF  }
0x2b: {  	s26 =	simm.s32 $0x1B8E;
	s25 =	sld [smem:$0x3FFE];
	[sflag:s4] =	ssyncadd.remote.s32 @!p0 $0x1  }
0x2c: {  	s27 =	simm.s32 $execute0_lowered;
	[smem:$0x3FD2] =	sst s26  }
0x2d: {  	s5 =	sshll.u32 s27, $0x1;
	_ =	strace $0x80000049;
	[dreg:$0x1] =	wrdreg $0xFFFFFFFF  }
0x2e: {  	s28 =	simm.s32 $_size_execute0_lowered;
	s3 =	sadd.s32 s3, s5;
	[dreg:$0x0] =	wrdreg $0x0  }
0x2f: {  	s5 =	sshll.u32 s28, $0x1;
	[dreg:$0x2] =	wrdreg s3  }
0x30: {  	[dreg:$0x3] =	wrdreg s5  }
0x31: {  	[dreg:$0x4] =	wrdreg $0xC0  }
0x32: {  	_ =	task [dreg:s23], $0x5FFFF  }
0x33: {  	[dreg:$0x1] =	wrdreg $0xFFFFFFFF  }
0x34: {  	[dreg:$0x0] =	wrdreg $0x60  }
0x35: {  	[dreg:$0x2] =	wrdreg s25  }
0x36: {  	[dreg:$0x3] =	wrdreg $0x9  }
0x37: {  	_ =	task.clear_ibuf [dreg:s23], $0x4FFFF;
	_ =	strace $0x90000049  }
0x38: {  	s29 =	simm.s32 $0x9;
	_ =	strace $0x8000004B  }
0x39: {  	_ =	swait.ge [sflag:s29], $0x1  }
0x3a: {  	[sflag:s29] =	ssyncadd.s32 $0xFFFFFFFF  }
0x3b: {  	_ =	strace $0x9000004B  }
0x3c: {  	_ =	sfence  }
0x3d: {  	s30 =	sld [smem:$0x0];
	_ =	sdelay $0x2  }
0x3e: {  	s31 =	sshll.u32 s1, $0xD;
	s1 =	sshrl.u32 s1, $0x2  }
0x3f: {  	s4 =	sand.u32 $0x4000, s31;
	s1 =	sadd.s32 s1, s30  }
0x40: {  	s0 =	sor.u32 s4, s0;
	s1 =	sshll.u32 s1, $0x11  }
0x41: {  	s0 =	sor.u32 s1, s0  }
0x42: {  	s0 =	sadd.s32 $0x8F2B, s0  }
0x43: {  	[sflag:s0] =	ssyncadd.remote.s32 $0x1  }
0x44: {  	_ =	sfence.sel $0xFFFF  }
0x45: {  	[dreg:$0x0] =	wrdreg $0xFFFFFFFF;
	(pc) =	sbr.abs _section_cstart, $3  }
0x46: {  	[dreg:$0x1] =	wrdreg $0xFFFFFFFF  }
0x47: {  	_ =	task.clear_ibuf [dreg:s23], $0x2FFFF;
	_ =	strace $0x9FFFFFFF  }
0x48: {  	(tm) =	ssettm $0x7FFFFFFF  }
0x49: {  	_ =	shalt  }
tec
execute0_lowered:
.L_overlay_start_1:
0x0: {  	(tag) =	ssettag $0x1  }
0x1: {  	s1 =	rddreg [dreg:$0x0]  }
0x2: {  	s0 =	rddreg [dreg:$0x1]  }
0x3: {  	_ =	strace $0x8000004A;
	s4 =	srdreg.scid;
	s6 =	simm.s32 $0x2  }
0x4: {  	s13 =	simm.s32 $0x0;
	s7 =	simm.s32 $0x1200000;
	s14 =	simm.s32 $0x0  }
0x5: {  	s15 =	simm.s32 $0x0;
	s16 =	simm.s32 $0x0;
	s9 =	simm.s32 $0x0  }
.Ltmp0:
0x6: {  	s10 =	simm.s32 $0x0;
	s11 =	simm.s32 $0x0;
	(pc) =	sbr.rel .LBB1_1-.Ltmp0, $4  }
0x7: {  	s2 =	sadd.s32 $0x903400, s1;
	s3 =	sadd.s32 $0xD83400, s1;
	s5 =	sshll.u32 s4, $0x4  }
0x8: {  	s1 =	stileid.u32;
	s4 =	simm.s32 $0x1;
	s5 =	sand.u32 $0x10, s5  }
0x9: {  	s8 =	simm.s32 $0x0;
	[sflag:s4] =	ssyncpa.u1 $0x0;
	s5 =	sor.u32 s1, s5  }
0xa: {  	[sflag:s6] =	ssyncpa.u1 $0x0;
	s6 =	simm.s32 $0x2000;
	s12 =	smov.u32 s5  }
.LBB1_7:
0xb: {  	s17 =	sadd.s32 $0x1, s9  }
0xc: {  	s13 =	sadd.s32 $0x40, s10;
	s18 =	smov.u32 s10;
	p1 =	sgt.s32 s17, $0x5  }
0xd: {  	s18 =	smov.u32 @p1 s13  }
0xe: {  	s13 =	simm.s32 $0x1;
	p2 =	sgt.s32 s18, $0x3F  }
0xf: {  	s13 =	simm.s32 @!p2 $0x0  }
0x10: {  	s19 =	sadd.s32 s13, s11  }
0x11: {  	s20 =	smov.u32 s12;
	s13 =	sadd.s32 $0x20, s12;
	p3 =	sgt.s32 s19, $0x5  }
0x12: {  	p0 =	slt.u32 s8, $0x2;
	s20 =	smov.u32 @p3 s13  }
0x13: {  	s8 =	sadd.s32 $0x1, s8;
	s17 =	simm.s32 @p1 $0x0;
	p1 =	sgt.s32 s20, $0x3F  }
0x14: {  	s21 =	simm.s32 @!p0 $0x2;
	s20 =	smov.u32 @p1 s5;
	p1 =	sne.s32 s8, $0x4A  }
.Ltmp1:
0x15: {  	_ =	swait.ge @!p0 [sflag:s21], $0x4000;
	(pc) =	sbr.rel @!p1 .LBB1_8-.Ltmp1, $4  }
0x16: {  	s14 =	smov.u32 s10;
	s15 =	smov.u32 s11;
	[sflag:s21] =	ssyncset.done @!p0 $0x0  }
0x17: {  	s16 =	smov.u32 s12;
	s18 =	simm.s32 @p2 $0x0;
	[sflag:s21] =	ssyncadd.s32 @!p0 $0xFFFFC000  }
0x18: {  	s10 =	smov.u32 s18;
	s19 =	simm.s32 @p3 $0x0;
	s13 =	smov.u32 s9  }
0x19: {  	s9 =	smov.u32 s17;
	s11 =	smov.u32 s19;
	s12 =	smov.u32 s20  }
.LBB1_1:
0x1a: {  	p0 =	sgt.u32 s8, $0x47  }
0x1b: {  	s17 =	smul.u32 @!p0 $0x12000, s12  }
0x1c: {  	s18 =	smul.u32 @!p0 $0x3000, s11  }
0x1d: {  	s19 =	sxor.u32 @!p0 $0xFFFFFFFF, s8;
	s20 =	smul.u32 @!p0 $0xC0, s10;
	s17 =	sadd.s32 @!p0 s2, s17  }
0x1e: {  	s19 =	sshll.u32 @!p0 s19, $0xE;
	s17 =	sadd.s32 @!p0 s18, s17  }
0x1f: {  	s18 =	sand.u32 @!p0 $0x4000, s19;
	s19 =	sshll.u32 @!p0 s9, $0x5;
	s17 =	sadd.s32 @!p0 s20, s17  }
0x20: {  	s20 =	simm.s32 @!p0 $0x600;
	s17 =	sadd.s32 @!p0 s19, s17;
	s19 =	simm.s32 @!p0 $0x100  }
0x21: {  	[tilespmem:s18], [sflag:$0x1] =	stream.strided.gather @!p0 [hbm4b:s17+s19], $0x4000, s20, s19, $0x38;
	[tilespmem:$0x10000] =	vst v63  }
0x22: {  	p0 =	seq.s32 s8, $0x0  }
0x23: {  	p1 =	seq.s32 @!p0 s8, $0x49  }
0x24: {  	p0 =	por p0, p1  }
.Ltmp2:
0x25: {  	_ = 	snop;
	(pc) =	sbr.rel @p0 .LBB1_7-.Ltmp2, $1  }
0x26: {  	_ =	sdelay $0x3  }
0x27: {  	_ =	swait.ge [sflag:s4], $0x4000;
	s17 =	sshll.u32 s8, $0xE  }
0x28: {  	[sflag:s4] =	ssyncset.done $0x0;
	s18 =	sand.u32 $0x4000, s17  }
0x29: {  	s19 =	simm.s32 $0x0;
	[sflag:s4] =	ssyncadd.s32 $0xFFFFC000;
	s17 =	sor.u32 $0x8000, s18  }
.LBB1_3:
0x2a: {  	s20 =	sshll.u32 s19, $0x8  }
0x2b: {  	s20 =	sand.u32 $0x3FFFFF00, s20  }
0x2c: {  	s21 =	sshll.u32 s19, $0x7;
	s20 =	sadd.s32 s20, s18  }
0x2d: {  	s21 =	sand.u32 $0x3FFFFF80, s21;
	v0 =	vmov s20  }
0x2e: {  	s21 =	sadd.s32 s21, s17  }
0x2f: {  	p0 =	por $0x1, $0x1;
	v1 =	vmov s21;
	s20 =	simm.s32 $0x0  }
.LBB1_4:
0x30: {  	s21 =	sshll.u32 s20, $0x7  }
0x31: {  	s21 =	sand.u32 $0x3FFFFF80, s21  }
0x32: {  	v2 =	vld.idx.msk [tilespmem:v0+s21+$0x0 ss:$0x1], $0xffff  }
0x33: {  	v3 =	vld.idx.msk [tilespmem:v0+s21+$0x10 ss:$0x1], $0xffff  }
0x34: {  	v4 =	vld.idx.msk [tilespmem:v0+s21+$0x20 ss:$0x1], $0xffff  }
0x35: {  	s31 =	sshll.u32 s20, $0xD;
	v5 =	vld.idx.msk [tilespmem:v0+s21+$0x30 ss:$0x1], $0xffff  }
0x36: {  	s20 =	sand.u32 $0x3FFFE000, s31;
	v6 =	vld.idx.msk [tilespmem:v0+s21+$0x40 ss:$0x1], $0xffff  }
0x37: {  	v63 =	vld.idx.msk [tilespmem:v0+s21+$0x70 ss:$0x1], $0xffff;
	[tilespmem:v1+s20+$0x0 ss:$0x1] =	vst.idx.msk $0xffff, v2  }
0x38: {  	v2 =	vld.idx.msk [tilespmem:v0+s21+$0x50 ss:$0x1], $0xffff;
	[tilespmem:v1+s20+$0x10 ss:$0x1] =	vst.idx.msk $0xffff, v3  }
0x39: {  	p1 =	por p0, p0;
	v3 =	vld.idx.msk [tilespmem:v0+s21+$0x60 ss:$0x1], $0xffff;
	[tilespmem:v1+s20+$0x20 ss:$0x1] =	vst.idx.msk $0xffff, v4  }
.Ltmp3:
0x3a: {  	[tilespmem:v1+s20+$0x30 ss:$0x1] =	vst.idx.msk $0xffff, v5;
	(pc) =	sbr.rel @p1 .LBB1_4-.Ltmp3, $4  }
0x3b: {  	[tilespmem:v1+s20+$0x40 ss:$0x1] =	vst.idx.msk $0xffff, v6  }
0x3c: {  	[tilespmem:v1+s20+$0x70 ss:$0x1] =	vst.idx.msk $0xffff, v63  }
0x3d: {  	[tilespmem:v1+s20+$0x50 ss:$0x1] =	vst.idx.msk $0xffff, v2  }
0x3e: {  	p0 =	por $0x0, $0x0;
	[tilespmem:v1+s20+$0x60 ss:$0x1] =	vst.idx.msk $0xffff, v3;
	s20 =	simm.s32 $0x1  }
0x3f: {  	s19 =	sadd.s32 $0x1, s19  }
0x40: {  	p0 =	sne.s32 s19, $0x40  }
.Ltmp4:
0x41: {  	_ = 	snop;
	(pc) =	sbr.rel @p0 .LBB1_3-.Ltmp4, $1  }
0x42: {  	_ =	sdelay $0x3  }
0x43: {  	s15 =	smul.u32 $0x60000, s15;
	s16 =	sshll.u32 s16, $0xA  }
.Ltmp5:
0x44: {  	s16 =	sadd.s32 s3, s16;
	(pc) =	sbr.rel .LBB1_7-.Ltmp5, $4  }
0x45: {  	s13 =	sshll.u32 s13, $0x10;
	s14 =	sshll.u32 s14, $0x4;
	s15 =	sadd.s32 s15, s16  }
0x46: {  	s14 =	sand.u32 $0x3F0, s14;
	s13 =	sadd.s32 s13, s15  }
0x47: {  	s13 =	sadd.s32 s14, s13  }
0x48: {  	[hbm4b:s13+s6] =	stream.strided.scatter [tilespmem:s17], [sflag:$0x2], $0x4000, s7, s6, $0x38;
	[tilespmem:$0x10000] =	vst v63  }
.LBB1_8:
0x49: {  	_ =	sfence.sel $0x180000  }
0x4a: {  	s2 =	simm.s32 $0x1;
	[bflag:$0x0] =	sbarrier.arrive $0xFFFF  }
0x4b: {  	s31 =	simm.s32 $0x2;
	[sflag:s2] =	ssyncpa.u1 $0x1  }
0x4c: {  	[sflag:s31] =	ssyncpa.u1 $0x1  }
0x4d: {  	p0 =	sne.s32 s1, $0x0;
	_ =	strace $0x9000004A  }
0x4e: {  	s0 =	sadd.s32 @!p0 $0x100000, s0;
	[bflag:$0x2] =	sbarrier.arrive $0xFFFF  }
0x4f: {  	[sflag:s0] =	ssyncadd.tile.s32 @!p0 $0x1;
	_ =	shalt  }
.Lfunc_end1:
_tile_overlayer_lowered:
.L_overlay_start_2:
0x50: {  	(tag) =	ssettag $0x2  }
0x51: {  	s0 =	rddreg [dreg:$0x0];
	s2 =	stileid.u32  }
0x52: {  	s1 =	rddreg [dreg:$0x1];
	p0 =	sne.s32 s2, $0x0  }
0x53: {  	s3 =	rddreg [dreg:$0x2];
	[bflag:$0x3] =	sbarrier.arrive $0xFFFF;
	s2 =	simm.s32 @!p0 $0x1C01  }
0x54: {  	[timem:s3], [sflag:s2] =	dma.local @!p0 [hbm:s0], s1  }
0x55: {  	s0 =	simm.s32 @!p0 $0x1  }
0x56: {  	_ =	swait.ge @!p0 [sflag:s0], s1  }
0x57: {  	s1 =	ssub.s32 @!p0 $0x0, s1;
	[sflag:s0] =	ssyncset.done @!p0 $0x0  }
0x58: {  	[sflag:s0] =	ssyncadd.s32 @!p0 s1  }
0x59: {  	[bflag:$0x3] =	sbarrier.arrive $0xFFFF  }
0x5a: {  	_ =	shalt  }

// kernel: sparse-core-data-format-call.3.cloned.1.call-start
scs
called_computation.3_lowered:
.L_overlay_start_0:
0x0: {  	s1 =	sld [smem:$0x3FD9]  }
0x1: {  	s2 =	sld [smem:$0x3FFE];
	_ =	sdelay $0x1  }
0x2: {  	s3 =	srdreg.scid  }
0x3: {  	s0 =	sand.u32 $0x1, s3  }
0x4: {  	s17 =	sshll.u32 s0, $0xA;
	s1 =	sadd.s32 s2, s1  }
0x5: {  	s1 =	sadd.s32 s1, s17  }
0x6: {  	[smem:$0x3FBE] =	sst s1  }
0x7: {  	_ = 	snop  }
0x8: {  	(tm) =	ssettm $0x1  }
0x9: {  	s18 =	sld [smem:$0x3FFB];
	_ =	sdelay $0x3  }
0xa: {  	_ =	strace s18  }
0xb: {  	s1 =	sld [smem:$0x3FFC];
	_ =	sdelay $0x3  }
0xc: {  	_ =	strace s1  }
0xd: {  	s1 =	sld [smem:$0x3FFD];
	_ =	sdelay $0x3  }
0xe: {  	_ =	strace s1  }
0xf: {  	_ =	strace $0x8FFFFFFF  }
0x10: {  	s19 =	sld [smem:$0x3FDB];
	_ =	sdelay $0x1  }
0x11: {  	s20 =	simm.s32 $_scs_section_size  }
0x12: {  	s4 =	simm.s32 $_size__tile_overlayer_lowered;
	s5 =	simm.s32 $_tile_overlayer_lowered  }
0x13: {  	s23 =	simm.s32 $0x1BFF;
	s22 =	sshll.u32 s5, $0x1;
	s1 =	sadd.s32 s20, s19  }
0x14: {  	s6 =	simm.s32 $0x0;
	s21 =	sshll.u32 s4, $0x1;
	s4 =	sadd.s32 s22, s1  }
0x15: {  	[timem:s6], [sflag:s23] =	dma.local [hbm:s4], s21  }
0x16: {  	_ =	swait.ge [sflag:s23], s21  }
0x17: {  	s2 =	ssub.s32 $0x0, s21;
	[sflag:s23] =	ssyncset.done $0x0  }
0x18: {  	[sflag:s23] =	ssyncadd.s32 s2;
	_ =	sdelay $0x1  }
0x19: {  	s24 =	simm.s32 $0x1B8B  }
0x1a: {  	_ =	swait.ge [sflag:s24], $0x1  }
0x1b: {  	[sflag:s24] =	ssyncset.done $0x0  }
0x1c: {  	s26 =	simm.s32 $0x1B8E;
	s25 =	sld [smem:$0x3FFE];
	[sflag:s24] =	ssyncadd.s32 $0xFFFFFFFF  }
0x1d: {  	s27 =	simm.s32 $execute0_lowered;
	[smem:$0x3FD2] =	sst s26  }
0x1e: {  	s4 =	sshll.u32 s27, $0x1;
	_ =	strace $0x80000046;
	[dreg:$0x1] =	wrdreg $0xFFFFFFFF  }
0x1f: {  	s28 =	simm.s32 $_size_execute0_lowered;
	s1 =	sadd.s32 s1, s4;
	[dreg:$0x0] =	wrdreg $0x0  }
0x20: {  	s4 =	sshll.u32 s28, $0x1;
	[dreg:$0x2] =	wrdreg s1  }
0x21: {  	[dreg:$0x3] =	wrdreg s4  }
0x22: {  	[dreg:$0x4] =	wrdreg $0xC0  }
0x23: {  	_ =	task [dreg:s6], $0x5FFFF  }
0x24: {  	[dreg:$0x1] =	wrdreg $0xFFFFFFFF  }
0x25: {  	[dreg:$0x0] =	wrdreg $0x60  }
0x26: {  	[dreg:$0x2] =	wrdreg s25  }
0x27: {  	[dreg:$0x3] =	wrdreg $0xA  }
0x28: {  	_ =	task.clear_ibuf [dreg:s6], $0x4FFFF;
	_ =	strace $0x90000046  }
0x29: {  	s29 =	simm.s32 $0xA;
	_ =	strace $0x80000048  }
0x2a: {  	_ =	swait.ge [sflag:s29], $0x1  }
0x2b: {  	[sflag:s29] =	ssyncadd.s32 $0xFFFFFFFF  }
0x2c: {  	_ =	strace $0x90000048  }
0x2d: {  	_ =	sfence  }
0x2e: {  	s30 =	sld [smem:$0x0];
	_ =	sdelay $0x2  }
0x2f: {  	s31 =	sshll.u32 s3, $0xD;
	s3 =	sshrl.u32 s3, $0x2  }
0x30: {  	s2 =	sand.u32 $0x4000, s31;
	s1 =	sadd.s32 s3, s30  }
0x31: {  	s0 =	sor.u32 s2, s0;
	s1 =	sshll.u32 s1, $0x11  }
0x32: {  	s0 =	sor.u32 s1, s0  }
0x33: {  	s0 =	sadd.s32 $0x8F2B, s0  }
0x34: {  	[sflag:s0] =	ssyncadd.remote.s32 $0x1  }
0x35: {  	_ =	sfence.sel $0xFFFF  }
0x36: {  	[dreg:$0x0] =	wrdreg $0xFFFFFFFF;
	(pc) =	sbr.abs _section_cstart, $3  }
0x37: {  	[dreg:$0x1] =	wrdreg $0xFFFFFFFF  }
0x38: {  	_ =	task.clear_ibuf [dreg:s6], $0x2FFFF;
	_ =	strace $0x9FFFFFFF  }
0x39: {  	(tm) =	ssettm $0x7FFFFFFF  }
tec
execute0_lowered:
.L_overlay_start_1:
0x0: {  	(tag) =	ssettag $0x1  }
0x1: {  	s1 =	rddreg [dreg:$0x0]  }
0x2: {  	s0 =	rddreg [dreg:$0x1]  }
0x3: {  	_ =	strace $0x80000047;
	s4 =	srdreg.scid;
	s6 =	simm.s32 $0x2  }
0x4: {  	s13 =	simm.s32 $0x0;
	s7 =	simm.s32 $0x9000;
	s14 =	simm.s32 $0x0  }
0x5: {  	s15 =	simm.s32 $0x0;
	s16 =	simm.s32 $0x0;
	s9 =	simm.s32 $0x0  }
.Ltmp0:
0x6: {  	s10 =	simm.s32 $0x0;
	s11 =	simm.s32 $0x0;
	(pc) =	sbr.rel .LBB1_1-.Ltmp0, $4  }
0x7: {  	s2 =	sadd.s32 $0x3400, s1;
	s3 =	sadd.s32 $0x483400, s1;
	s5 =	sshll.u32 s4, $0x4  }
0x8: {  	s1 =	stileid.u32;
	s4 =	simm.s32 $0x1;
	s5 =	sand.u32 $0x10, s5  }
0x9: {  	s8 =	simm.s32 $0x0;
	[sflag:s4] =	ssyncpa.u1 $0x0;
	s5 =	sor.u32 s1, s5  }
0xa: {  	[sflag:s6] =	ssyncpa.u1 $0x0;
	s6 =	simm.s32 $0x400;
	s12 =	smov.u32 s5  }
.LBB1_9:
0xb: {  	s17 =	sadd.s32 $0x4, s9  }
0xc: {  	s13 =	sadd.s32 $0x10, s10;
	s18 =	smov.u32 s10;
	p1 =	sgt.s32 s17, $0xB  }
0xd: {  	s18 =	smov.u32 @p1 s13  }
0xe: {  	s13 =	simm.s32 $0x1;
	p2 =	sgt.s32 s18, $0x1F  }
0xf: {  	s13 =	simm.s32 @!p2 $0x0  }
0x10: {  	s19 =	sadd.s32 s13, s11  }
0x11: {  	s20 =	smov.u32 s12;
	s13 =	sadd.s32 $0x20, s12;
	p3 =	sgt.s32 s19, $0xB  }
0x12: {  	p0 =	slt.u32 s8, $0x2;
	s20 =	smov.u32 @p3 s13  }
0x13: {  	s8 =	sadd.s32 $0x1, s8;
	s17 =	simm.s32 @p1 $0x0;
	p1 =	sgt.s32 s20, $0x1F  }
0x14: {  	s21 =	simm.s32 @!p0 $0x2;
	s20 =	smov.u32 @p1 s5;
	p1 =	sne.s32 s8, $0x4A  }
.Ltmp1:
0x15: {  	_ =	swait.ge @!p0 [sflag:s21], $0x4000;
	(pc) =	sbr.rel @!p1 .LBB1_10-.Ltmp1, $4  }
0x16: {  	s14 =	smov.u32 s10;
	s15 =	smov.u32 s11;
	[sflag:s21] =	ssyncset.done @!p0 $0x0  }
0x17: {  	s16 =	smov.u32 s12;
	s18 =	simm.s32 @p2 $0x0;
	[sflag:s21] =	ssyncadd.s32 @!p0 $0xFFFFC000  }
0x18: {  	s10 =	smov.u32 s18;
	s19 =	simm.s32 @p3 $0x0;
	s13 =	smov.u32 s9  }
0x19: {  	s9 =	smov.u32 s17;
	s11 =	smov.u32 s19;
	s12 =	smov.u32 s20  }
.LBB1_1:
0x1a: {  	p0 =	sgt.u32 s8, $0x47  }
0x1b: {  	s17 =	smul.u32 @!p0 $0x24000, s12  }
0x1c: {  	s18 =	smul.u32 @!p0 $0x3000, s11  }
0x1d: {  	s19 =	sxor.u32 @!p0 $0xFFFFFFFF, s8;
	s20 =	smul.u32 @!p0 $0x180, s10;
	s17 =	sadd.s32 @!p0 s2, s17  }
0x1e: {  	s19 =	sshll.u32 @!p0 s19, $0xE;
	s17 =	sadd.s32 @!p0 s18, s17  }
0x1f: {  	s18 =	sand.u32 @!p0 $0x4000, s19;
	s19 =	sshll.u32 @!p0 s9, $0x5;
	s17 =	sadd.s32 @!p0 s20, s17  }
0x20: {  	s20 =	simm.s32 @!p0 $0xC00;
	s17 =	sadd.s32 @!p0 s19, s17;
	s19 =	simm.s32 @!p0 $0x400  }
0x21: {  	[tilespmem:s18], [sflag:$0x1] =	stream.strided.gather @!p0 [hbm4b:s17+s19], $0x4000, s20, s19, $0x38;
	[tilespmem:$0x10000] =	vst v63  }
0x22: {  	p0 =	seq.s32 s8, $0x0  }
0x23: {  	p1 =	seq.s32 @!p0 s8, $0x49  }
0x24: {  	p0 =	por p0, p1  }
.Ltmp2:
0x25: {  	_ = 	snop;
	(pc) =	sbr.rel @p0 .LBB1_9-.Ltmp2, $1  }
0x26: {  	_ =	sdelay $0x3  }
0x27: {  	s17 =	sshll.u32 s8, $0xE  }
0x28: {  	s19 =	sand.u32 $0x4000, s17  }
0x29: {  	v0 =	vmov s19  }
0x2a: {  	_ =	swait.ge [sflag:s4], $0x4000  }
0x2b: {  	[sflag:s4] =	ssyncset.done $0x0;
	s17 =	sor.u32 $0x8000, s19  }
0x2c: {  	s18 =	simm.s32 $0x0;
	[sflag:s4] =	ssyncadd.s32 $0xFFFFC000;
	v1 =	vmov s17  }
.LBB1_3:
0x2d: {  	s19 =	sshll.u32 s18, $0xA;
	s20 =	simm.s32 $0x0  }
.LBB1_4:
0x2e: {  	s21 =	sshll.u32 s20, $0x8  }
0x2f: {  	s22 =	simm.s32 $0x0;
	p0 =	por $0x1, $0x1;
	s21 =	sadd.s32 s19, s21  }
.LBB1_5:
0x30: {  	s22 =	sor.u32 s21, s22  }
0x31: {  	s23 =	sor.u32 $0x10, s22;
	v3 =	vld.idx.msk [tilespmem:v0+s22+$0x0 ss:$0x1], $0xffff  }
0x32: {  	s24 =	sor.u32 $0x20, s22;
	v2 =	vld.idx.msk [tilespmem:v0+s23+$0x0 ss:$0x1], $0xffff  }
0x33: {  	s25 =	sor.u32 $0x30, s22;
	v4 =	vld.idx.msk [tilespmem:v0+s24+$0x0 ss:$0x1], $0xffff  }
0x34: {  	s26 =	sor.u32 $0x40, s22;
	v5 =	vld.idx.msk [tilespmem:v0+s25+$0x0 ss:$0x1], $0xffff  }
0x35: {  	s31 =	sor.u32 $0x60, s22;
	v6 =	vld.idx.msk [tilespmem:v0+s26+$0x0 ss:$0x1], $0xffff  }
0x36: {  	s27 =	sor.u32 $0x50, s22;
	[tilespmem:v1+s22+$0x0 ss:$0x1] =	vst.idx.msk $0xffff, v3;
	v3 =	vld.idx.msk [tilespmem:v0+s31+$0x0 ss:$0x1], $0xffff  }
0x37: {  	s22 =	sor.u32 $0x70, s22;
	[tilespmem:v1+s23+$0x0 ss:$0x1] =	vst.idx.msk $0xffff, v2;
	v2 =	vld.idx.msk [tilespmem:v0+s27+$0x0 ss:$0x1], $0xffff  }
0x38: {  	p1 =	por p0, p0;
	[tilespmem:v1+s24+$0x0 ss:$0x1] =	vst.idx.msk $0xffff, v4;
	v63 =	vld.idx.msk [tilespmem:v0+s22+$0x0 ss:$0x1], $0xffff  }
.Ltmp3:
0x39: {  	[tilespmem:v1+s25+$0x0 ss:$0x1] =	vst.idx.msk $0xffff, v5;
	(pc) =	sbr.rel @p1 .LBB1_5-.Ltmp3, $4  }
0x3a: {  	[tilespmem:v1+s26+$0x0 ss:$0x1] =	vst.idx.msk $0xffff, v6  }
0x3b: {  	[tilespmem:v1+s31+$0x0 ss:$0x1] =	vst.idx.msk $0xffff, v3  }
0x3c: {  	[tilespmem:v1+s27+$0x0 ss:$0x1] =	vst.idx.msk $0xffff, v2  }
0x3d: {  	p0 =	por $0x0, $0x0;
	[tilespmem:v1+s22+$0x0 ss:$0x1] =	vst.idx.msk $0xffff, v63;
	s22 =	simm.s32 $0x80  }
0x3e: {  	s20 =	sadd.s32 $0x1, s20  }
0x3f: {  	p0 =	sne.s32 s20, $0x4  }
.Ltmp4:
0x40: {  	_ = 	snop;
	(pc) =	sbr.rel @p0 .LBB1_4-.Ltmp4, $1  }
0x41: {  	_ =	sdelay $0x3  }
0x42: {  	s18 =	sadd.s32 $0x1, s18  }
0x43: {  	p0 =	sne.s32 s18, $0x10  }
.Ltmp5:
0x44: {  	_ = 	snop;
	(pc) =	sbr.rel @p0 .LBB1_3-.Ltmp5, $1  }
0x45: {  	_ =	sdelay $0x3  }
0x46: {  	s16 =	smul.u32 $0x24000, s16  }
0x47: {  	s15 =	smul.u32 $0x180, s15  }
0x48: {  	s14 =	smul.u32 $0x1200, s14  }
.Ltmp6:
0x49: {  	s16 =	sadd.s32 s3, s16;
	(pc) =	sbr.rel .LBB1_9-.Ltmp6, $4  }
0x4a: {  	s15 =	sadd.s32 s15, s16  }
0x4b: {  	s13 =	sshll.u32 s13, $0x5;
	s14 =	sadd.s32 s14, s15  }
0x4c: {  	s13 =	sadd.s32 s13, s14  }
0x4d: {  	[hbm4b:s13+s6] =	stream.strided.scatter [tilespmem:s17], [sflag:$0x2], $0x4000, s7, s6, $0x38;
	[tilespmem:$0x10000] =	vst v63  }
.LBB1_10:
0x4e: {  	_ =	sfence.sel $0x180000  }
0x4f: {  	s2 =	simm.s32 $0x1;
	[bflag:$0x0] =	sbarrier.arrive $0xFFFF  }
0x50: {  	s31 =	simm.s32 $0x2;
	[sflag:s2] =	ssyncpa.u1 $0x1  }
0x51: {  	[sflag:s31] =	ssyncpa.u1 $0x1  }
0x52: {  	p0 =	sne.s32 s1, $0x0;
	_ =	strace $0x90000047  }
0x53: {  	s0 =	sadd.s32 @!p0 $0x100000, s0;
	[bflag:$0x2] =	sbarrier.arrive $0xFFFF  }
0x54: {  	[sflag:s0] =	ssyncadd.tile.s32 @!p0 $0x1;
	_ =	shalt  }
.Lfunc_end1:
_tile_overlayer_lowered:
.L_overlay_start_2:
0x55: {  	(tag) =	ssettag $0x2  }
0x56: {  	s0 =	rddreg [dreg:$0x0];
	s2 =	stileid.u32  }
0x57: {  	s1 =	rddreg [dreg:$0x1];
	p0 =	sne.s32 s2, $0x0  }
0x58: {  	s3 =	rddreg [dreg:$0x2];
	[bflag:$0x3] =	sbarrier.arrive $0xFFFF;
	s2 =	simm.s32 @!p0 $0x1C01  }
0x59: {  	[timem:s3], [sflag:s2] =	dma.local @!p0 [hbm:s0], s1  }
0x5a: {  	s0 =	simm.s32 @!p0 $0x1  }
0x5b: {  	_ =	swait.ge @!p0 [sflag:s0], s1  }
0x5c: {  	s1 =	ssub.s32 @!p0 $0x0, s1;
	[sflag:s0] =	ssyncset.done @!p0 $0x0  }
0x5d: {  	[sflag:s0] =	ssyncadd.s32 @!p0 s1  }
0x5e: {  	[bflag:$0x3] =	sbarrier.arrive $0xFFFF  }
0x5f: {  	_ =	shalt  }

// kernel: sparse-core-data-format-call.cloned.1.call-start
scs
called_computation_lowered:
.L_overlay_start_0:
0x0: {  	s2 =	sld [smem:$0x3FD9]  }
0x1: {  	s3 =	sld [smem:$0x3FFE];
	_ =	sdelay $0x1  }
0x2: {  	s1 =	srdreg.scid  }
0x3: {  	s0 =	sand.u32 $0x1, s1  }
0x4: {  	s18 =	sshll.u32 s0, $0xA;
	s2 =	sadd.s32 s3, s2  }
0x5: {  	s2 =	sadd.s32 s2, s18  }
0x6: {  	[smem:$0x3FBE] =	sst s2  }
0x7: {  	_ = 	snop  }
0x8: {  	s2 =	sld [smem:$0x3FD0];
	(tm) =	ssettm $0x1  }
0x9: {  	s19 =	sld [smem:$0x3FFB];
	_ =	sdelay $0x3  }
0xa: {  	_ =	strace s19  }
0xb: {  	s3 =	sld [smem:$0x3FFC];
	_ =	sdelay $0x3  }
0xc: {  	_ =	strace s3  }
0xd: {  	s3 =	sld [smem:$0x3FFD];
	_ =	sdelay $0x3  }
0xe: {  	_ =	strace s3  }
0xf: {  	_ =	strace $0x8FFFFFFF  }
0x10: {  	s20 =	sld [smem:$0x3FDB];
	_ =	sdelay $0x1  }
0x11: {  	s4 =	simm.s32 $_scs_section_size  }
0x12: {  	s5 =	simm.s32 $_size__tile_overlayer_lowered;
	s6 =	simm.s32 $_tile_overlayer_lowered  }
0x13: {  	s23 =	simm.s32 $0x1BFF;
	s22 =	sshll.u32 s6, $0x1;
	s3 =	sadd.s32 s4, s20  }
0x14: {  	s7 =	simm.s32 $0x0;
	s21 =	sshll.u32 s5, $0x1;
	s5 =	sadd.s32 s22, s3  }
0x15: {  	[timem:s7], [sflag:s23] =	dma.local [hbm:s5], s21  }
0x16: {  	_ =	swait.ge [sflag:s23], s21  }
0x17: {  	s4 =	ssub.s32 $0x0, s21;
	[sflag:s23] =	ssyncset.done $0x0  }
0x18: {  	[sflag:s23] =	ssyncadd.s32 s4;
	_ =	sdelay $0x1  }
0x19: {  	s24 =	simm.s32 $0x1B8B  }
0x1a: {  	_ =	swait.ge [sflag:s24], $0x1  }
0x1b: {  	[sflag:s24] =	ssyncset.done $0x0  }
0x1c: {  	s26 =	simm.s32 $0x1B8E;
	s25 =	sld [smem:$0x3FFE];
	[sflag:s24] =	ssyncadd.s32 $0xFFFFFFFF  }
0x1d: {  	s27 =	simm.s32 $execute0_lowered;
	[smem:$0x3FD2] =	sst s26  }
0x1e: {  	s5 =	sshll.u32 s27, $0x1;
	_ =	strace $0x8000004F;
	[dreg:$0x1] =	wrdreg $0xFFFFFFFF  }
0x1f: {  	s28 =	simm.s32 $_size_execute0_lowered;
	s3 =	sadd.s32 s3, s5;
	[dreg:$0x0] =	wrdreg $0x0  }
0x20: {  	s5 =	sshll.u32 s28, $0x1;
	[dreg:$0x2] =	wrdreg s3  }
0x21: {  	[dreg:$0x3] =	wrdreg s5  }
0x22: {  	[dreg:$0x4] =	wrdreg $0xC0  }
0x23: {  	_ =	task [dreg:s7], $0x5FFFF  }
0x24: {  	[dreg:$0x1] =	wrdreg $0xFFFFFFFF  }
0x25: {  	[dreg:$0x0] =	wrdreg $0x60  }
0x26: {  	[dreg:$0x2] =	wrdreg s25  }
0x27: {  	[dreg:$0x3] =	wrdreg s2  }
0x28: {  	[dreg:$0x4] =	wrdreg $0x9  }
0x29: {  	_ =	task.clear_ibuf [dreg:s7], $0x5FFFF;
	_ =	strace $0x9000004F  }
0x2a: {  	s29 =	simm.s32 $0x9;
	_ =	strace $0x80000051  }
0x2b: {  	_ =	swait.ge [sflag:s29], $0x1  }
0x2c: {  	[sflag:s29] =	ssyncadd.s32 $0xFFFFFFFF  }
0x2d: {  	_ =	strace $0x90000051  }
0x2e: {  	_ =	sfence  }
0x2f: {  	s30 =	sld [smem:$0x0];
	_ =	sdelay $0x2  }
0x30: {  	s31 =	sshll.u32 s1, $0xD;
	s1 =	sshrl.u32 s1, $0x2  }
0x31: {  	s3 =	sand.u32 $0x4000, s31;
	s1 =	sadd.s32 s1, s30  }
0x32: {  	s0 =	sor.u32 s3, s0;
	s1 =	sshll.u32 s1, $0x11  }
0x33: {  	s0 =	sor.u32 s1, s0  }
0x34: {  	s0 =	sadd.s32 $0x8F2B, s0  }
0x35: {  	[sflag:s0] =	ssyncadd.remote.s32 $0x1  }
0x36: {  	_ =	sfence.sel $0xFFFF  }
0x37: {  	[dreg:$0x0] =	wrdreg $0xFFFFFFFF;
	(pc) =	sbr.abs _section_cstart, $3  }
0x38: {  	[dreg:$0x1] =	wrdreg $0xFFFFFFFF  }
0x39: {  	_ =	task.clear_ibuf [dreg:s7], $0x2FFFF;
	_ =	strace $0x9FFFFFFF  }
0x3a: {  	(tm) =	ssettm $0x7FFFFFFF  }
0x3b: {  	_ =	shalt  }
tec
execute0_lowered:
.L_overlay_start_1:
0x0: {  	(tag) =	ssettag $0x1  }
0x1: {  	s1 =	rddreg [dreg:$0x0]  }
0x2: {  	s2 =	rddreg [dreg:$0x1]  }
0x3: {  	s0 =	rddreg [dreg:$0x2]  }
0x4: {  	s4 =	srdreg.scid;
	_ =	strace $0x80000050;
	s6 =	simm.s32 $0x2  }
0x5: {  	s14 =	simm.s32 $0x0;
	p0 =	por $0x0, $0x0;
	s15 =	simm.s32 $0x0  }
0x6: {  	s16 =	simm.s32 $0x0;
	s7 =	simm.s32 $0x0;
	s9 =	simm.s32 $0x0  }
.Ltmp0:
0x7: {  	s10 =	simm.s32 $0x0;
	s11 =	simm.s32 $0x0;
	(pc) =	sbr.rel .LBB1_1-.Ltmp0, $4  }
0x8: {  	s12 =	simm.s32 $0x0;
	s3 =	sadd.s32 $0x483400, s1;
	s4 =	sshll.u32 s4, $0x4  }
0x9: {  	s1 =	stileid.u32;
	s5 =	sand.u32 $0x10, s4;
	s4 =	simm.s32 $0x1  }
0xa: {  	s8 =	simm.s32 $0x0;
	s5 =	sor.u32 s1, s5;
	[sflag:s4] =	ssyncpa.u1 $0x0  }
0xb: {  	[sflag:s6] =	ssyncpa.u1 $0x0;
	s6 =	simm.s32 $0x24000;
	s13 =	smov.u32 s5  }
.LBB1_5:
0xc: {  	p1 =	slt.u32 s8, $0x2;
	s17 =	smov.u32 s16  }
0xd: {  	p2 =	sgt.s32 @!p1 s14, $0x1;
	p3 =	sgt.s32 @!p1 s16, $0x17F;
	s18 =	sshra.s32 @!p1 s16, $0x1F  }
0xe: {  	p2 =	por !p2, p1;
	p3 =	por !p3, p1;
	s16 =	sand.u32 @!p1 s18, s16  }
0xf: {  	s18 =	sshra.s32 @!p1 s14, $0x1F;
	s17 =	simm.s32 @p3 $0x17F;
	p3 =	sgt.s32 @!p1 s15, $0x100  }
0x10: {  	s18 =	sand.u32 @!p1 s18, s14;
	s14 =	simm.s32 @p2 $0x1;
	s16 =	ssub.s32 @!p1 s17, s16  }
0x11: {  	s17 =	sshra.s32 @!p1 s15, $0x1F;
	p3 =	por !p3, p1;
	s18 =	sxor.u32 @!p1 $0xFFFFFFFF, s18  }
0x12: {  	s17 =	sand.u32 @!p1 s17, s15;
	s15 =	simm.s32 @p3 $0x100;
	s14 =	sadd.s32 @!p1 s18, s14  }
0x13: {  	s18 =	sadd.s32 @!p1 $0xFFFFFE81, s16;
	s16 =	ssub.s32 @!p1 $0x180, s16;
	s15 =	ssub.s32 @!p1 s15, s17  }
0x14: {  	s17 =	ssub.s32 @!p1 $0x1, s14;
	p2 =	sgt.s32 @!p1 s18, $0x0;
	s18 =	sadd.s32 @!p1 $0xFFFFFF00, s15  }
0x15: {  	p2 =	por !p2, p1;
	s15 =	ssub.s32 @!p1 $0x180, s15;
	p3 =	sgt.s32 @!p1 s18, $0x7F  }
0x16: {  	s16 =	simm.s32 @!p2 $0x0;
	s18 =	smov.u32 s12;
	p2 =	por !p3, p1  }
0x17: {  	p3 =	sgt.s32 @!p1 s14, $0x0;
	s14 =	smul.u32 @!p1 $0x60, s17;
	s15 =	simm.s32 @!p2 $0x0  }
0x18: {  	s17 =	sadd.s32 $0x1, s11;
	p2 =	por !p3, p1;
	s15 =	smul.u32 @!p1 s16, s15  }
0x19: {  	s14 =	simm.s32 @!p2 $0x0;
	p2 =	sgt.s32 s17, $0x1;
	s16 =	sadd.s32 $0x80, s12  }
0x1a: {  	s19 =	smov.u32 s13;
	s18 =	smov.u32 @p2 s16  }
0x1b: {  	s14 =	smul.u32 @!p1 s14, s15;
	p3 =	sgt.s32 s18, $0x17F;
	s15 =	sadd.s32 $0x20, s13  }
0x1c: {  	s8 =	sadd.s32 $0x1, s8;
	p0 =	por !p0, !p0;
	s19 =	smov.u32 @p3 s15  }
0x1d: {  	s20 =	simm.s32 @!p1 $0x2;
	s17 =	simm.s32 @p2 $0x0;
	p2 =	sgt.s32 s19, $0x17F  }
0x1e: {  	s16 =	smov.u32 s10;
	s19 =	smov.u32 @p2 s5;
	p2 =	sne.s32 s8, $0x4A  }
.Ltmp1:
0x1f: {  	s10 =	smov.u32 s13;
	s18 =	simm.s32 @p3 $0x0;
	(pc) =	sbr.rel @!p2 .LBB1_6-.Ltmp1, $4  }
0x20: {  	s15 =	smov.u32 s9;
	s9 =	smov.u32 s12;
	s14 =	sand.u32 @!p1 $0x3FFFFFE0, s14  }
0x21: {  	s12 =	smov.u32 s18;
	_ =	swait.ge @!p1 [sflag:s20], s14;
	s21 =	ssub.s32 @!p1 $0x0, s14  }
0x22: {  	s14 =	smov.u32 s7;
	s7 =	smov.u32 s11;
	[sflag:s20] =	ssyncset.done @!p1 $0x0  }
0x23: {  	s11 =	smov.u32 s17;
	s13 =	smov.u32 s19;
	[sflag:s20] =	ssyncadd.s32 @!p1 s21  }
.LBB1_1:
0x24: {  	p1 =	sgt.u32 s8, $0x47  }
0x25: {  	s18 =	smul.u32 @!p1 $0x3000, s13  }
0x26: {  	s17 =	sxor.u32 @!p1 $0xFFFFFFFF, s8;
	s19 =	sshll.u32 @!p1 s12, $0x5  }
0x27: {  	s20 =	sshll.u32 @!p1 s11, $0x4;
	s17 =	sshll.u32 @!p1 s17, $0xE;
	s18 =	sadd.s32 @!p1 s3, s18  }
0x28: {  	s20 =	sand.u32 @!p1 $0x10, s20;
	s17 =	sand.u32 @!p1 $0x4000, s17;
	s18 =	sadd.s32 @!p1 s19, s18  }
0x29: {  	s19 =	simm.s32 @!p1 $0x80;
	s18 =	sadd.s32 @!p1 s20, s18;
	s20 =	simm.s32 @!p1 $0x100  }
0x2a: {  	[tilespmem:s17], [sflag:$0x1] =	stream.strided.gather @!p1 [hbm4b:s18+s19], $0x4000, s20, s19, $0x38;
	[tilespmem:$0x10100] =	vst v63  }
0x2b: {  	p1 =	seq.s32 s8, $0x0  }
0x2c: {  	p2 =	seq.s32 @!p1 s8, $0x49  }
0x2d: {  	p1 =	por p1, p2  }
.Ltmp2:
0x2e: {  	_ = 	snop;
	(pc) =	sbr.rel @p1 .LBB1_5-.Ltmp2, $1  }
0x2f: {  	_ =	sdelay $0x3  }
0x30: {  	s17 =	simm.s32 $0x1  }
0x31: {  	_ =	swait.ge [sflag:s4], $0x4000;
	s17 =	simm.s32 @!p0 $0x0  }
0x32: {  	[sflag:s4] =	ssyncset.done $0x0;
	s18 =	sshll.u32 s17, $0xE  }
0x33: {  	[sflag:s4] =	ssyncadd.s32 $0xFFFFC000;
	s18 =	sor.u32 $0x40, s18  }
0x34: {  	s17 =	smul.u32 $0x10200, s17;
	v0 =	vld [tilespmem:s18+$0x30]  }
0x35: {  	v1 =	vld [tilespmem:s18+$0xFFFFFFD0]  }
0x36: {  	s17 =	sshrl.u32 s17, $0x2;
	v5 =	vld [tilespmem:s18+$0xFFFFFFE0]  }
0x37: {  	v6 =	vld [tilespmem:s18+$0xFFFFFFF0];
	s20 =	sor.u32 $0x8000, s17  }
0x38: {  	s31 =	sand.u32 $0x1, s8;
	v4 =	vld [tilespmem:s18+$0x0];
	s19 =	sadd.s32 $0x0, s20  }
0x39: {  	v3 =	vld [tilespmem:s18+$0x10];
	s17 =	smul.u32 $0x10200, s31;
	[tilespmem:s19+$0x3870 ss:$0x81] =	vst.msk $0xffff, v0  }
0x3a: {  	v2 =	vld [tilespmem:s18+$0x20];
	[tilespmem:s19+$0x810 ss:$0x81] =	vst.msk $0xffff, v1  }
0x3b: {  	s17 =	sshrl.u32 s17, $0x2;
	v1 =	vld [tilespmem:s18+$0xFFFFFFC0];
	[tilespmem:s19+$0x1020 ss:$0x81] =	vst.msk $0xffff, v5;
	s18 =	sadd.s32 $0x80, s18  }
0x3c: {  	s21 =	simm.s32 $0x4;
	s22 =	simm.s32 $0x8;
	s17 =	sor.u32 $0x8000, s17;
	[tilespmem:s19+$0x1830 ss:$0x81] =	vst.msk $0xffff, v6;
	v0 =	vld [tilespmem:s18+$0x30]  }
.LBB1_3:
0x3d: {  	p1 =	sne.s32 s22, $0x1FC;
	v5 =	vld [tilespmem:s18+$0xFFFFFFD0];
	[tilespmem:s19+$0x2040 ss:$0x81] =	vst.msk $0xffff, v4  }
0x3e: {  	v6 =	vld [tilespmem:s18+$0xFFFFFFE0];
	[tilespmem:s19+$0x2850 ss:$0x81] =	vst.msk $0xffff, v3  }
0x3f: {  	s23 =	sshra.s32 s21, $0x2;
	s21 =	smov.u32 s22;
	v7 =	vld [tilespmem:s18+$0xFFFFFFF0];
	[tilespmem:s19+$0x3060 ss:$0x81] =	vst.msk $0xffff, v2  }
.Ltmp3:
0x40: {  	v4 =	vld [tilespmem:s18+$0x0];
	[tilespmem:s19+$0x0 ss:$0x81] =	vst.msk $0xffff, v1;
	s19 =	sadd.s32 s23, s20;
	(pc) =	sbr.rel @p1 .LBB1_3-.Ltmp3, $4  }
0x41: {  	v3 =	vld [tilespmem:s18+$0x10];
	[tilespmem:s19+$0x3870 ss:$0x81] =	vst.msk $0xffff, v0  }
0x42: {  	[tilespmem:s19+$0x810 ss:$0x81] =	vst.msk $0xffff, v5;
	v2 =	vld [tilespmem:s18+$0x20]  }
0x43: {  	v1 =	vld [tilespmem:s18+$0xFFFFFFC0];
	[tilespmem:s19+$0x1020 ss:$0x81] =	vst.msk $0xffff, v6;
	s18 =	sadd.s32 $0x80, s18  }
0x44: {  	s22 =	sadd.s32 $0x4, s22;
	v0 =	vld [tilespmem:s18+$0x30];
	[tilespmem:s19+$0x1830 ss:$0x81] =	vst.msk $0xffff, v7  }
0x45: {  	s22 =	sshrl.u32 s10, $0x3  }
0x46: {  	s23 =	sshll.u32 s9, $0x3;
	s22 =	smul.u32 $0xC00, s22  }
0x47: {  	s24 =	sshll.u32 s10, $0x7;
	s23 =	sand.u32 $0xFFFFFC00, s23  }
0x48: {  	s28 =	sand.u32 $0x380, s24;
	s22 =	sadd.s32 s22, s23  }
0x49: {  	s29 =	sand.u32 $0x7F, s9;
	s22 =	sor.u32 s28, s22  }
0x4a: {  	s21 =	sshra.s32 s21, $0x2;
	s23 =	sor.u32 s29, s22  }
0x4b: {  	p1 =	sgt.s32 s7, $0x1;
	s25 =	smov.u32 s10;
	s24 =	smulhi.u32 $0xAAAAAAAB, s23  }
0x4c: {  	s26 =	sshra.s32 s10, $0x1F;
	s27 =	sshra.s32 s9, $0x1F;
	s20 =	sadd.s32 s21, s20  }
0x4d: {  	s22 =	smulhi.u32 $0xAAAAAAAB, s22;
	s21 =	sshrl.u32 s24, $0x8;
	s24 =	smov.u32 s7  }
0x4e: {  	s30 =	sshra.s32 s7, $0x1F;
	s24 =	simm.s32 @!p1 $0x1;
	p1 =	sgt.s32 s10, $0x17F  }
0x4f: {  	s26 =	sand.u32 s26, s10;
	s22 =	sshrl.u32 s22, $0x8;
	s25 =	simm.s32 @!p1 $0x17F  }
0x50: {  	s27 =	sand.u32 s27, s9;
	s29 =	smulhi.u32 $0xAAAAAB, s22;
	s25 =	ssub.s32 s25, s26  }
0x51: {  	p1 =	sgt.s32 s9, $0x100;
	s26 =	smov.u32 s9;
	s28 =	sadd.s32 $0xFFFFFE81, s25  }
0x52: {  	v5 =	vld [tilespmem:s18+$0xFFFFFFD0];
	[tilespmem:s19+$0x2040 ss:$0x81] =	vst.msk $0xffff, v4;
	s26 =	simm.s32 @!p1 $0x100;
	s25 =	ssub.s32 $0x180, s25;
	p1 =	sgt.s32 s28, $0x0  }
0x53: {  	v58 =	vld [tilespmem:s18+$0xFFFFFFE0];
	[tilespmem:s19+$0x2850 ss:$0x81] =	vst.msk $0xffff, v3;
	s26 =	ssub.s32 s26, s27;
	s27 =	sand.u32 s30, s7;
	s30 =	smul.u32 $0x180, s21  }
0x54: {  	v59 =	vld [tilespmem:s18+$0xFFFFFFF0];
	[tilespmem:s19+$0x3060 ss:$0x81] =	vst.msk $0xffff, v2;
	s25 =	simm.s32 @p1 $0x0;
	s31 =	sadd.s32 $0xFFFFFF00, s26;
	s26 =	ssub.s32 $0x180, s26  }
0x55: {  	v60 =	vld [tilespmem:s18+$0x0];
	[tilespmem:s19+$0x0 ss:$0x81] =	vst.msk $0xffff, v1;
	p1 =	sgt.s32 s31, $0x7F;
	s31 =	sxor.u32 $0xFFFFFFFF, s27;
	s27 =	smul.u32 $0x180, s29  }
0x56: {  	v61 =	vld [tilespmem:s18+$0x10];
	[tilespmem:s20+$0x3870 ss:$0x81] =	vst.msk $0xffff, v0;
	s29 =	smul.u32 $0x1B0000, s7;
	s21 =	sadd.s32 s31, s24;
	s26 =	simm.s32 @p1 $0x0  }
0x57: {  	v62 =	vld [tilespmem:s18+$0x20];
	[tilespmem:s20+$0x810 ss:$0x81] =	vst.msk $0xffff, v5;
	s25 =	smul.u32 s25, s26;
	s28 =	ssub.s32 $0x1, s21  }
0x58: {  	v63 =	vld [tilespmem:s18+$0xFFFFFFC0];
	[tilespmem:s20+$0x1020 ss:$0x81] =	vst.msk $0xffff, v58;
	s22 =	ssub.s32 s22, s27;
	s18 =	smul.u32 $0x60, s28  }
0x59: {  	[tilespmem:s20+$0x1830 ss:$0x81] =	vst.msk $0xffff, v59;
	p1 =	sgt.s32 s21, $0x0;
	s22 =	smul.u32 $0x30, s22  }
.Ltmp4:
0x5a: {  	[tilespmem:s20+$0x2040 ss:$0x81] =	vst.msk $0xffff, v60;
	s19 =	ssub.s32 s23, s30;
	s18 =	simm.s32 @p1 $0x0;
	(pc) =	sbr.rel .LBB1_5-.Ltmp4, $4  }
0x5b: {  	[tilespmem:s20+$0x2850 ss:$0x81] =	vst.msk $0xffff, v61;
	s23 =	sand.u32 $0x7, s19;
	s21 =	sadd.s32 s2, s29;
	s18 =	smul.u32 s18, s25  }
0x5c: {  	[tilespmem:s20+$0x3060 ss:$0x81] =	vst.msk $0xffff, v62;
	s19 =	sshrl.u32 s19, $0x3;
	s30 =	sshll.u32 s23, $0x12;
	s21 =	sadd.s32 s22, s21  }
0x5d: {  	[tilespmem:s20+$0x0 ss:$0x81] =	vst.msk $0xffff, v63;
	s31 =	sor.u32 $0x80, s30;
	s19 =	sadd.s32 s19, s21;
	s18 =	sand.u32 $0x3FFFFFE0, s18  }
0x5e: {  	[hbm4b:s19+s31] =	stream.strided.scatter [tilespmem:s17], [sflag:$0x2], s18, s6, s31, $0x20;
	[tilespmem:$0x10100] =	vst v63  }
.LBB1_6:
0x5f: {  	_ =	sfence.sel $0x180000  }
0x60: {  	s2 =	simm.s32 $0x1;
	[bflag:$0x0] =	sbarrier.arrive $0xFFFF  }
0x61: {  	s31 =	simm.s32 $0x2;
	[sflag:s2] =	ssyncpa.u1 $0x1  }
0x62: {  	[sflag:s31] =	ssyncpa.u1 $0x1  }
0x63: {  	p0 =	sne.s32 s1, $0x0;
	_ =	strace $0x90000050  }
0x64: {  	s0 =	sadd.s32 @!p0 $0x100000, s0;
	[bflag:$0x2] =	sbarrier.arrive $0xFFFF  }
0x65: {  	[sflag:s0] =	ssyncadd.tile.s32 @!p0 $0x1;
	_ =	shalt  }
.Lfunc_end1:
_tile_overlayer_lowered:
.L_overlay_start_2:
0x66: {  	(tag) =	ssettag $0x2  }
0x67: {  	s0 =	rddreg [dreg:$0x0];
	s2 =	stileid.u32  }
0x68: {  	s1 =	rddreg [dreg:$0x1];
	p0 =	sne.s32 s2, $0x0  }
0x69: {  	s3 =	rddreg [dreg:$0x2];
	[bflag:$0x3] =	sbarrier.arrive $0xFFFF;
	s2 =	simm.s32 @!p0 $0x1C01  }
0x6a: {  	[timem:s3], [sflag:s2] =	dma.local @!p0 [hbm:s0], s1  }
0x6b: {  	s0 =	simm.s32 @!p0 $0x1  }
0x6c: {  	_ =	swait.ge @!p0 [sflag:s0], s1  }
0x6d: {  	s1 =	ssub.s32 @!p0 $0x0, s1;
	[sflag:s0] =	ssyncset.done @!p0 $0x0  }
0x6e: {  	[sflag:s0] =	ssyncadd.s32 @!p0 s1  }
0x6f: {  	[bflag:$0x3] =	sbarrier.arrive $0xFFFF  }
0x70: {  	_ =	shalt  }

</sc_bundles>
